<compile_context>
chip_gen: v7x
topology: tpu7x:2x2x1
jax: 0.10.2.dev20260603
libtpu: 0.0.44.dev20260713+nightly
codegen_flags: <defaults>
</compile_context>

<pallas_src>
import functools

import numpy as np
import jax
import jax.numpy as jnp
from jax import lax
from jax.experimental import pallas as pl
from jax.experimental.pallas import tpu as pltpu
from jax.experimental.pallas import tpu_sc as plsc

EMBED = 64
MAXLEN = 512
VOCAB = 1000000
B = 4096
S = 200
HALF = 100
ROWS = B * (S // HALF)
NC, NS = 2, 16
NW = NC * NS
ROWS_PER_W = ROWS // NW
NBUF = 4
TBLK = 8192


def _sinusoidal_pe(maxlen, d):
    pos = np.arange(maxlen, dtype=np.float32)[:, None]
    i = np.arange(d, dtype=np.float32)[None, :]
    angle_rates = 1.0 / np.power(10000.0, (2.0 * (np.floor(i / 2.0))) / float(d))
    angles = pos * angle_rates
    pe = np.zeros((maxlen, d), dtype=np.float32)
    pe[:, 0::2] = np.sin(angles[:, 0::2])
    pe[:, 1::2] = np.cos(angles[:, 1::2])
    return pe


_PE = _sinusoidal_pe(MAXLEN, EMBED)[:S].reshape(2, HALF, EMBED)


SPLIT = 524288
NBLK = SPLIT // TBLK


def _fmt_body(lo_ref, hi_ref, dst_ref):
    dst_ref[:, 0:64] = lo_ref[...].T
    dst_ref[:, 64:128] = hi_ref[...].T


_fmt = pl.pallas_call(
    _fmt_body,
    grid=(NBLK,),
    in_specs=[
        pl.BlockSpec((EMBED, TBLK), lambda i: (0, i)),
        pl.BlockSpec((EMBED, TBLK),
                     lambda i: (0, jnp.minimum(i + NBLK, VOCAB // TBLK))),
    ],
    out_specs=pl.BlockSpec((TBLK, 128), lambda i: (i, 0)),
    out_shape=jax.ShapeDtypeStruct((SPLIT, 128), jnp.float32),
)

_mesh = plsc.VectorSubcoreMesh(core_axis_name="c", subcore_axis_name="s")


@functools.partial(
    pl.kernel,
    out_type=jax.ShapeDtypeStruct((B, S, 128), jnp.float32),
    mesh=_mesh,
    scratch_types=[
        pltpu.VMEM((ROWS_PER_W, HALF), jnp.int32),
        pltpu.VMEM((NBUF, HALF, EMBED), jnp.float32),
        pltpu.VMEM_SHARED((2, HALF, EMBED), jnp.float32),
        pltpu.SemaphoreType.DMA((NBUF,)),
        pltpu.SemaphoreType.DMA((NBUF,)),
        pltpu.SemaphoreType.DMA((NBUF,)),
    ],
    compiler_params=pltpu.CompilerParams(use_tc_tiling_on_sc=False),
)
def _emb_pe(tokens_hbm, pe_hbm, table_hbm, out_hbm, idx_all, rows, pe_sh,
            psem, gsem, osem):
    cid = lax.axis_index("c")
    sid = lax.axis_index("s")
    wid = sid * NC + cid
    N = ROWS_PER_W
    base = wid * N

    @pl.when(sid == 0)
    def _():
        pltpu.sync_copy(pe_hbm, pe_sh)

    pltpu.sync_copy(tokens_hbm.at[wid], idx_all)
    plsc.subcore_barrier()

    def out_slc(rr):
        b = rr // 2
        s0 = (rr % 2) * HALF
        return out_hbm.at[b, pl.ds(s0, HALF), pl.ds(0, EMBED)]

    def pe_init(bb):
        pltpu.async_copy(pe_sh.at[bb % 2], rows.at[bb], psem.at[bb])

    def gather(j, bb):
        pltpu.async_copy(table_hbm.at[idx_all.at[j]], rows.at[bb],
                         gsem.at[bb], add=True)

    def sem_wait(sem, bb):
        pltpu.make_async_copy(out_hbm.at[0, pl.ds(0, HALF), pl.ds(0, EMBED)],
                              rows.at[bb], sem).wait()

    for bb in range(NBUF - 1):
        pe_init(bb)
    sem_wait(psem.at[0], 0)
    gather(0, 0)

    def body(g, carry):
        for t in range(NBUF):
            j = g * NBUF + t

            bp = (t + NBUF - 1) % NBUF

            @pl.when(j + NBUF - 1 < N)
            def _():
                @pl.when(j >= 1)
                def _():
                    sem_wait(osem.at[bp], bp)
                pe_init(bp)

            bn = (t + 1) % NBUF

            @pl.when(j + 1 < N)
            def _():
                sem_wait(psem.at[bn], bn)
                gather(j + 1, bn)

            sem_wait(gsem.at[t], t)
            pltpu.async_copy(rows.at[t], out_slc(base + j), osem.at[t])
        return carry

    lax.fori_loop(0, N // NBUF, body, 0)

    for bb in range(NBUF):
        sem_wait(osem.at[bb], bb)


def kernel(tokens, table):
    idx = 2 * (tokens & (SPLIT - 1)) + (tokens >> 19)
    tokens3 = idx.reshape(NW, ROWS_PER_W, HALF)
    tt = table.T
    pairs = _fmt(tt, tt)
    flat64 = pairs.reshape(2 * SPLIT, EMBED)
    out128 = _emb_pe(tokens3, jnp.asarray(_PE), flat64)
    return out128[:, :, 0:EMBED]

# --- scband reference (transcript-rebuilt; emitter-appended) ---
"""Pipeline reference for scband-transformer-block-6133213298689 (READ-ONLY COPY).

The authoritative reference and input builder live on the scoring server;
editing this copy changes nothing except your own understanding.
"""

import jax, jax.numpy as jnp
import numpy as np

VOCAB = 1000000
EMBED = 64
MAXLEN = 512
PAD_IDX = 1
B = 4096
S = 200


def _sinusoidal_pe(maxlen, d):
    pos = np.arange(maxlen, dtype=np.float32)[:, None]
    i = np.arange(d, dtype=np.float32)[None, :]
    angle_rates = 1.0 / np.power(10000.0, (2.0 * (np.floor(i / 2.0))) / float(d))
    angles = pos * angle_rates
    pe = np.zeros((maxlen, d), dtype=np.float32)
    pe[:, 0::2] = np.sin(angles[:, 0::2])
    pe[:, 1::2] = np.cos(angles[:, 1::2])
    return jnp.asarray(pe)


PE = _sinusoidal_pe(MAXLEN, EMBED)


def setup_inputs(seed: int = 0) -> dict:
    key = jax.random.key(seed)
    k1, k2 = jax.random.split(key)
    tokens = jax.random.randint(k1, (B, S), 0, VOCAB, dtype=jnp.int32)
    table = jax.random.normal(k2, (VOCAB, EMBED), dtype=jnp.float32) * 0.02
    table = table.at[PAD_IDX].set(0.0)  # padding_idx row zeroed as in nn.Embedding
    return {"tokens": tokens, "table": table}


def reference(tokens, table):
    # nn.Embedding lookup with padding_idx (row PAD_IDX forced to zero)
    tbl = table.at[PAD_IDX].set(0.0)
    emb = jnp.take(tbl, tokens, axis=0)  # [B, S, EMBED] gather
    # PositionalEncoder: add sinusoidal positional encoding
    out = emb + PE[:S][None, :, :]
    return out

if __name__ == "__main__":
    import jax
    _d = setup_inputs()
    print(jax.jit(kernel)(*tuple(_d.values())))

</pallas_src>

<mosaic_0001>
#map = affine_map<(d0, d1) -> (0, 0, 0)>
#map1 = affine_map<(d0, d1) -> (0, 0)>
module attributes {stable_mosaic.version = 14 : i64} {
  func.func @_emb_pe(%arg0: i32, %arg1: i32, %arg2: memref<32x256x100xi32, #tpu.memory_space<hbm>>, %arg3: memref<2x100x64xf32, #tpu.memory_space<hbm>>, %arg4: memref<1048576x64xf32, #tpu.memory_space<hbm>>, %arg5: memref<4096x200x128xf32, #tpu.memory_space<hbm>>, %arg6: memref<256x100xi32, #tpu.memory_space<vmem>>, %arg7: memref<4x100x64xf32, #tpu.memory_space<vmem>>, %arg8: memref<2x100x64xf32, #tpu.memory_space<vmem_shared>>, %arg9: memref<4x!tpu.dma_semaphore, #tpu.memory_space<semaphore_mem>>, %arg10: memref<4x!tpu.dma_semaphore, #tpu.memory_space<semaphore_mem>>, %arg11: memref<4x!tpu.dma_semaphore, #tpu.memory_space<semaphore_mem>>) attributes {dimension_semantics = [#tpu.dimension_semantics<core_parallel>, #tpu.dimension_semantics<subcore_parallel>], iteration_bounds = array<i64: 2, 16>, scalar_prefetch = 0 : i64, scratch_operands = 6 : i64, tpu.core_type = #tpu.core_type<sc_vector_subcore>, window_params = [{transform_indices = #map}, {transform_indices = #map}, {transform_indices = #map1}, {transform_indices = #map}]} {
    %mul3A = arith.constant 2 : i32
    %mul3A_0 = arith.muli %arg1, %mul3A : i32
    %add3A = arith.addi %mul3A_0, %arg0 : i32
    %mul3A_1 = arith.constant 256 : i32
    %mul3A_2 = arith.muli %add3A, %mul3A_1 : i32
    %eq3A = arith.constant 0 : i32
    %eq3A_3 = arith.cmpi eq, %arg1, %eq3A : i32
    %convert_element_type3A = arith.extui %eq3A_3 : i1 to i32
    %cond3A = arith.constant 0 : i32
    %cond3A_4 = arith.cmpi ne, %convert_element_type3A, %cond3A : i32
    scf.if %cond3A_4 {
      "tpu.region"() ({
        %run_scoped3A = tpu.sem_alloc : memref<!tpu.dma_semaphore, #tpu.memory_space<semaphore_mem>>
        tpu.enqueue_dma source(%arg3 : memref<2x100x64xf32, #tpu.memory_space<hbm>>) target(%arg8 : memref<2x100x64xf32, #tpu.memory_space<vmem_shared>>) target_semaphore(%run_scoped3A : memref<!tpu.dma_semaphore, #tpu.memory_space<semaphore_mem>>)
        tpu.wait_dma2 semaphore(%run_scoped3A : memref<!tpu.dma_semaphore, #tpu.memory_space<semaphore_mem>>) src(%arg3 : memref<2x100x64xf32, #tpu.memory_space<hbm>>) dst(%arg8 : memref<2x100x64xf32, #tpu.memory_space<vmem_shared>>)
        tpu.yield
      }) : () -> ()
    } else {
    }
    "tpu.region"() ({
      %run_scoped3A = tpu.sem_alloc : memref<!tpu.dma_semaphore, #tpu.memory_space<semaphore_mem>>
      %dma_start3A_191 = arith.constant 0 : i32
      %dma_start3A_192 = arith.constant 0 : i32
      %dma_start3A_193 = tpu.memref_slice %arg2[%add3A, %dma_start3A_191, %dma_start3A_192] : memref<32x256x100xi32, #tpu.memory_space<hbm>> -> memref<1x256x100xi32, #tpu.memory_space<hbm>>
      %dma_start3A_194 = tpu.memref_squeeze %dma_start3A_193 : memref<1x256x100xi32, #tpu.memory_space<hbm>> -> memref<256x100xi32, #tpu.memory_space<hbm>>
      %dma_start3A_195 = arith.constant 0 : i32
      %dma_start3A_196 = arith.constant 0 : i32
      %dma_start3A_197 = tpu.memref_slice %arg2[%add3A, %dma_start3A_195, %dma_start3A_196] : memref<32x256x100xi32, #tpu.memory_space<hbm>> -> memref<1x256x100xi32, #tpu.memory_space<hbm>>
      %dma_start3A_198 = tpu.memref_squeeze %dma_start3A_197 : memref<1x256x100xi32, #tpu.memory_space<hbm>> -> memref<256x100xi32, #tpu.memory_space<hbm>>
      tpu.enqueue_dma source(%dma_start3A_198 : memref<256x100xi32, #tpu.memory_space<hbm>>) target(%arg6 : memref<256x100xi32, #tpu.memory_space<vmem>>) target_semaphore(%run_scoped3A : memref<!tpu.dma_semaphore, #tpu.memory_space<semaphore_mem>>)
      %dma_wait3A_199 = arith.constant 0 : i32
      %dma_wait3A_200 = arith.constant 0 : i32
      %dma_wait3A_201 = tpu.memref_slice %arg2[%add3A, %dma_wait3A_199, %dma_wait3A_200] : memref<32x256x100xi32, #tpu.memory_space<hbm>> -> memref<1x256x100xi32, #tpu.memory_space<hbm>>
      %dma_wait3A_202 = tpu.memref_squeeze %dma_wait3A_201 : memref<1x256x100xi32, #tpu.memory_space<hbm>> -> memref<256x100xi32, #tpu.memory_space<hbm>>
      %dma_wait3A_203 = arith.constant 0 : i32
      %dma_wait3A_204 = arith.constant 0 : i32
      %dma_wait3A_205 = tpu.memref_slice %arg2[%add3A, %dma_wait3A_203, %dma_wait3A_204] : memref<32x256x100xi32, #tpu.memory_space<hbm>> -> memref<1x256x100xi32, #tpu.memory_space<hbm>>
      %dma_wait3A_206 = tpu.memref_squeeze %dma_wait3A_205 : memref<1x256x100xi32, #tpu.memory_space<hbm>> -> memref<256x100xi32, #tpu.memory_space<hbm>>
      tpu.wait_dma2 semaphore(%run_scoped3A : memref<!tpu.dma_semaphore, #tpu.memory_space<semaphore_mem>>) src(%dma_wait3A_206 : memref<256x100xi32, #tpu.memory_space<hbm>>) dst(%arg6 : memref<256x100xi32, #tpu.memory_space<vmem>>)
      tpu.yield
    }) : () -> ()
    %barrier3A = arith.constant 0 : index
    tpu.barrier barrier_id(%barrier3A)
    %dma_start3A = arith.constant 0 : i32
    %dma_start3A_5 = arith.constant 0 : i32
    %dma_start3A_6 = arith.constant 0 : i32
    %dma_start3A_7 = arith.constant 0 : i32
    %dma_start3A_8 = arith.constant 0 : i32
    %dma_start3A_9 = tpu.memref_slice %arg7[%dma_start3A_5, %dma_start3A_7, %dma_start3A_8] : memref<4x100x64xf32, #tpu.memory_space<vmem>> -> memref<1x100x64xf32, #tpu.memory_space<vmem>>
    %dma_start3A_10 = tpu.memref_squeeze %dma_start3A_9 : memref<1x100x64xf32, #tpu.memory_space<vmem>> -> memref<100x64xf32, #tpu.memory_space<vmem>>
    %dma_start3A_11 = arith.constant 0 : i32
    %dma_start3A_12 = arith.constant 0 : i32
    %dma_start3A_13 = tpu.memref_slice %arg8[%dma_start3A, %dma_start3A_11, %dma_start3A_12] : memref<2x100x64xf32, #tpu.memory_space<vmem_shared>> -> memref<1x100x64xf32, #tpu.memory_space<vmem_shared>>
    %dma_start3A_14 = tpu.memref_squeeze %dma_start3A_13 : memref<1x100x64xf32, #tpu.memory_space<vmem_shared>> -> memref<100x64xf32, #tpu.memory_space<vmem_shared>>
    %dma_start3A_15 = tpu.memref_slice %arg9[%dma_start3A_6] : memref<4x!tpu.dma_semaphore, #tpu.memory_space<semaphore_mem>> -> memref<1x!tpu.dma_semaphore, #tpu.memory_space<semaphore_mem>>
    %dma_start3A_16 = tpu.memref_squeeze %dma_start3A_15 : memref<1x!tpu.dma_semaphore, #tpu.memory_space<semaphore_mem>> -> memref<!tpu.dma_semaphore, #tpu.memory_space<semaphore_mem>>
    %dma_start3A_17 = arith.constant 0 : i32
    %dma_start3A_18 = arith.constant 0 : i32
    %dma_start3A_19 = tpu.memref_slice %arg7[%dma_start3A_5, %dma_start3A_17, %dma_start3A_18] : memref<4x100x64xf32, #tpu.memory_space<vmem>> -> memref<1x100x64xf32, #tpu.memory_space<vmem>>
    %dma_start3A_20 = tpu.memref_squeeze %dma_start3A_19 : memref<1x100x64xf32, #tpu.memory_space<vmem>> -> memref<100x64xf32, #tpu.memory_space<vmem>>
    %dma_start3A_21 = arith.constant 0 : i32
    %dma_start3A_22 = arith.constant 0 : i32
    %dma_start3A_23 = tpu.memref_slice %arg8[%dma_start3A, %dma_start3A_21, %dma_start3A_22] : memref<2x100x64xf32, #tpu.memory_space<vmem_shared>> -> memref<1x100x64xf32, #tpu.memory_space<vmem_shared>>
    %dma_start3A_24 = tpu.memref_squeeze %dma_start3A_23 : memref<1x100x64xf32, #tpu.memory_space<vmem_shared>> -> memref<100x64xf32, #tpu.memory_space<vmem_shared>>
    tpu.enqueue_dma source(%dma_start3A_24 : memref<100x64xf32, #tpu.memory_space<vmem_shared>>) target(%dma_start3A_20 : memref<100x64xf32, #tpu.memory_space<vmem>>) target_semaphore(%dma_start3A_16 : memref<!tpu.dma_semaphore, #tpu.memory_space<semaphore_mem>>)
    %dma_start3A_25 = arith.constant 1 : i32
    %dma_start3A_26 = arith.constant 1 : i32
    %dma_start3A_27 = arith.constant 1 : i32
    %dma_start3A_28 = arith.constant 0 : i32
    %dma_start3A_29 = arith.constant 0 : i32
    %dma_start3A_30 = tpu.memref_slice %arg7[%dma_start3A_26, %dma_start3A_28, %dma_start3A_29] : memref<4x100x64xf32, #tpu.memory_space<vmem>> -> memref<1x100x64xf32, #tpu.memory_space<vmem>>
    %dma_start3A_31 = tpu.memref_squeeze %dma_start3A_30 : memref<1x100x64xf32, #tpu.memory_space<vmem>> -> memref<100x64xf32, #tpu.memory_space<vmem>>
    %dma_start3A_32 = arith.constant 0 : i32
    %dma_start3A_33 = arith.constant 0 : i32
    %dma_start3A_34 = tpu.memref_slice %arg8[%dma_start3A_25, %dma_start3A_32, %dma_start3A_33] : memref<2x100x64xf32, #tpu.memory_space<vmem_shared>> -> memref<1x100x64xf32, #tpu.memory_space<vmem_shared>>
    %dma_start3A_35 = tpu.memref_squeeze %dma_start3A_34 : memref<1x100x64xf32, #tpu.memory_space<vmem_shared>> -> memref<100x64xf32, #tpu.memory_space<vmem_shared>>
    %dma_start3A_36 = tpu.memref_slice %arg9[%dma_start3A_27] : memref<4x!tpu.dma_semaphore, #tpu.memory_space<semaphore_mem>> -> memref<1x!tpu.dma_semaphore, #tpu.memory_space<semaphore_mem>>
    %dma_start3A_37 = tpu.memref_squeeze %dma_start3A_36 : memref<1x!tpu.dma_semaphore, #tpu.memory_space<semaphore_mem>> -> memref<!tpu.dma_semaphore, #tpu.memory_space<semaphore_mem>>
    %dma_start3A_38 = arith.constant 0 : i32
    %dma_start3A_39 = arith.constant 0 : i32
    %dma_start3A_40 = tpu.memref_slice %arg7[%dma_start3A_26, %dma_start3A_38, %dma_start3A_39] : memref<4x100x64xf32, #tpu.memory_space<vmem>> -> memref<1x100x64xf32, #tpu.memory_space<vmem>>
    %dma_start3A_41 = tpu.memref_squeeze %dma_start3A_40 : memref<1x100x64xf32, #tpu.memory_space<vmem>> -> memref<100x64xf32, #tpu.memory_space<vmem>>
    %dma_start3A_42 = arith.constant 0 : i32
    %dma_start3A_43 = arith.constant 0 : i32
    %dma_start3A_44 = tpu.memref_slice %arg8[%dma_start3A_25, %dma_start3A_42, %dma_start3A_43] : memref<2x100x64xf32, #tpu.memory_space<vmem_shared>> -> memref<1x100x64xf32, #tpu.memory_space<vmem_shared>>
    %dma_start3A_45 = tpu.memref_squeeze %dma_start3A_44 : memref<1x100x64xf32, #tpu.memory_space<vmem_shared>> -> memref<100x64xf32, #tpu.memory_space<vmem_shared>>
    tpu.enqueue_dma source(%dma_start3A_45 : memref<100x64xf32, #tpu.memory_space<vmem_shared>>) target(%dma_start3A_41 : memref<100x64xf32, #tpu.memory_space<vmem>>) target_semaphore(%dma_start3A_37 : memref<!tpu.dma_semaphore, #tpu.memory_space<semaphore_mem>>)
    %dma_start3A_46 = arith.constant 0 : i32
    %dma_start3A_47 = arith.constant 2 : i32
    %dma_start3A_48 = arith.constant 2 : i32
    %dma_start3A_49 = arith.constant 0 : i32
    %dma_start3A_50 = arith.constant 0 : i32
    %dma_start3A_51 = tpu.memref_slice %arg7[%dma_start3A_47, %dma_start3A_49, %dma_start3A_50] : memref<4x100x64xf32, #tpu.memory_space<vmem>> -> memref<1x100x64xf32, #tpu.memory_space<vmem>>
    %dma_start3A_52 = tpu.memref_squeeze %dma_start3A_51 : memref<1x100x64xf32, #tpu.memory_space<vmem>> -> memref<100x64xf32, #tpu.memory_space<vmem>>
    %dma_start3A_53 = arith.constant 0 : i32
    %dma_start3A_54 = arith.constant 0 : i32
    %dma_start3A_55 = tpu.memref_slice %arg8[%dma_start3A_46, %dma_start3A_53, %dma_start3A_54] : memref<2x100x64xf32, #tpu.memory_space<vmem_shared>> -> memref<1x100x64xf32, #tpu.memory_space<vmem_shared>>
    %dma_start3A_56 = tpu.memref_squeeze %dma_start3A_55 : memref<1x100x64xf32, #tpu.memory_space<vmem_shared>> -> memref<100x64xf32, #tpu.memory_space<vmem_shared>>
    %dma_start3A_57 = tpu.memref_slice %arg9[%dma_start3A_48] : memref<4x!tpu.dma_semaphore, #tpu.memory_space<semaphore_mem>> -> memref<1x!tpu.dma_semaphore, #tpu.memory_space<semaphore_mem>>
    %dma_start3A_58 = tpu.memref_squeeze %dma_start3A_57 : memref<1x!tpu.dma_semaphore, #tpu.memory_space<semaphore_mem>> -> memref<!tpu.dma_semaphore, #tpu.memory_space<semaphore_mem>>
    %dma_start3A_59 = arith.constant 0 : i32
    %dma_start3A_60 = arith.constant 0 : i32
    %dma_start3A_61 = tpu.memref_slice %arg7[%dma_start3A_47, %dma_start3A_59, %dma_start3A_60] : memref<4x100x64xf32, #tpu.memory_space<vmem>> -> memref<1x100x64xf32, #tpu.memory_space<vmem>>
    %dma_start3A_62 = tpu.memref_squeeze %dma_start3A_61 : memref<1x100x64xf32, #tpu.memory_space<vmem>> -> memref<100x64xf32, #tpu.memory_space<vmem>>
    %dma_start3A_63 = arith.constant 0 : i32
    %dma_start3A_64 = arith.constant 0 : i32
    %dma_start3A_65 = tpu.memref_slice %arg8[%dma_start3A_46, %dma_start3A_63, %dma_start3A_64] : memref<2x100x64xf32, #tpu.memory_space<vmem_shared>> -> memref<1x100x64xf32, #tpu.memory_space<vmem_shared>>
    %dma_start3A_66 = tpu.memref_squeeze %dma_start3A_65 : memref<1x100x64xf32, #tpu.memory_space<vmem_shared>> -> memref<100x64xf32, #tpu.memory_space<vmem_shared>>
    tpu.enqueue_dma source(%dma_start3A_66 : memref<100x64xf32, #tpu.memory_space<vmem_shared>>) target(%dma_start3A_62 : memref<100x64xf32, #tpu.memory_space<vmem>>) target_semaphore(%dma_start3A_58 : memref<!tpu.dma_semaphore, #tpu.memory_space<semaphore_mem>>)
    %dma_wait3A = arith.constant 0 : i32
    %dma_wait3A_67 = arith.constant 0 : i32
    %dma_wait3A_68 = arith.constant 0 : i32
    %dma_wait3A_69 = arith.constant 0 : i32
    %dma_wait3A_70 = arith.constant 0 : i32
    %dma_wait3A_71 = tpu.memref_slice %arg7[%dma_wait3A_67, %dma_wait3A_69, %dma_wait3A_70] : memref<4x100x64xf32, #tpu.memory_space<vmem>> -> memref<1x100x64xf32, #tpu.memory_space<vmem>>
    %dma_wait3A_72 = tpu.memref_squeeze %dma_wait3A_71 : memref<1x100x64xf32, #tpu.memory_space<vmem>> -> memref<100x64xf32, #tpu.memory_space<vmem>>
    %dma_wait3A_73 = arith.constant 0 : i32
    %dma_wait3A_74 = arith.constant 0 : i32
    %dma_wait3A_75 = tpu.memref_slice %arg5[%dma_wait3A, %dma_wait3A_73, %dma_wait3A_74] : memref<4096x200x128xf32, #tpu.memory_space<hbm>> -> memref<1x100x64xf32, #tpu.memory_space<hbm>>
    %dma_wait3A_76 = tpu.memref_squeeze %dma_wait3A_75 : memref<1x100x64xf32, #tpu.memory_space<hbm>> -> memref<100x64xf32, #tpu.memory_space<hbm>>
    %dma_wait3A_77 = tpu.memref_slice %arg9[%dma_wait3A_68] : memref<4x!tpu.dma_semaphore, #tpu.memory_space<semaphore_mem>> -> memref<1x!tpu.dma_semaphore, #tpu.memory_space<semaphore_mem>>
    %dma_wait3A_78 = tpu.memref_squeeze %dma_wait3A_77 : memref<1x!tpu.dma_semaphore, #tpu.memory_space<semaphore_mem>> -> memref<!tpu.dma_semaphore, #tpu.memory_space<semaphore_mem>>
    %dma_wait3A_79 = arith.constant 0 : i32
    %dma_wait3A_80 = arith.constant 0 : i32
    %dma_wait3A_81 = tpu.memref_slice %arg7[%dma_wait3A_67, %dma_wait3A_79, %dma_wait3A_80] : memref<4x100x64xf32, #tpu.memory_space<vmem>> -> memref<1x100x64xf32, #tpu.memory_space<vmem>>
    %dma_wait3A_82 = tpu.memref_squeeze %dma_wait3A_81 : memref<1x100x64xf32, #tpu.memory_space<vmem>> -> memref<100x64xf32, #tpu.memory_space<vmem>>
    %dma_wait3A_83 = arith.constant 0 : i32
    %dma_wait3A_84 = arith.constant 0 : i32
    %dma_wait3A_85 = tpu.memref_slice %arg5[%dma_wait3A, %dma_wait3A_83, %dma_wait3A_84] : memref<4096x200x128xf32, #tpu.memory_space<hbm>> -> memref<1x100x64xf32, #tpu.memory_space<hbm>>
    %dma_wait3A_86 = tpu.memref_squeeze %dma_wait3A_85 : memref<1x100x64xf32, #tpu.memory_space<hbm>> -> memref<100x64xf32, #tpu.memory_space<hbm>>
    tpu.wait_dma2 semaphore(%dma_wait3A_78 : memref<!tpu.dma_semaphore, #tpu.memory_space<semaphore_mem>>) src(%dma_wait3A_86 : memref<100x64xf32, #tpu.memory_space<hbm>>) dst(%dma_wait3A_82 : memref<100x64xf32, #tpu.memory_space<vmem>>)
    %dma_start3A_87 = arith.constant 0 : i32
    %dma_start3A_88 = arith.constant 0 : i32
    %dma_start3A_89 = arith.constant 0 : i32
    %dma_start3A_90 = arith.constant 0 : i32
    %dma_start3A_91 = arith.constant 0 : i32
    %dma_start3A_92 = tpu.memref_slice %arg7[%dma_start3A_88, %dma_start3A_90, %dma_start3A_91] : memref<4x100x64xf32, #tpu.memory_space<vmem>> -> memref<1x100x64xf32, #tpu.memory_space<vmem>>
    %dma_start3A_93 = tpu.memref_squeeze %dma_start3A_92 : memref<1x100x64xf32, #tpu.memory_space<vmem>> -> memref<100x64xf32, #tpu.memory_space<vmem>>
    %dma_start3A_94 = arith.constant 0 : i32
    %dma_start3A_95 = tpu.memref_slice %arg6[%dma_start3A_87, %dma_start3A_94] : memref<256x100xi32, #tpu.memory_space<vmem>> -> memref<1x100xi32, #tpu.memory_space<vmem>>
    %dma_start3A_96 = tpu.memref_squeeze %dma_start3A_95 : memref<1x100xi32, #tpu.memory_space<vmem>> -> memref<100xi32, #tpu.memory_space<vmem>>
    %dma_start3A_97 = arith.constant 0 : i32
    %dma_start3A_98 = arith.constant 0 : i32
    %dma_start3A_99 = tpu.memref_slice %arg4[%dma_start3A_97, %dma_start3A_98] : memref<1048576x64xf32, #tpu.memory_space<hbm>> -> memref<1048576x64xf32, #tpu.memory_space<hbm>>
    %dma_start3A_100 = tpu.memref_slice %arg10[%dma_start3A_89] : memref<4x!tpu.dma_semaphore, #tpu.memory_space<semaphore_mem>> -> memref<1x!tpu.dma_semaphore, #tpu.memory_space<semaphore_mem>>
    %dma_start3A_101 = tpu.memref_squeeze %dma_start3A_100 : memref<1x!tpu.dma_semaphore, #tpu.memory_space<semaphore_mem>> -> memref<!tpu.dma_semaphore, #tpu.memory_space<semaphore_mem>>
    tpu.enqueue_indirect_dma source(%dma_start3A_99 : memref<1048576x64xf32, #tpu.memory_space<hbm>>) target(%dma_start3A_93 : memref<100x64xf32, #tpu.memory_space<vmem>>) offsets(%dma_start3A_96 : memref<100xi32, #tpu.memory_space<vmem>>) semaphore(%dma_start3A_101 : memref<!tpu.dma_semaphore, #tpu.memory_space<semaphore_mem>>) {add = true}
    %scan3A = arith.constant 0 : i32
    %scan3A_102 = arith.constant 0 : i32
    %scan3A_103 = arith.constant 64 : i32
    %scan3A_104 = arith.addi %scan3A_102, %scan3A_103 : i32
    %scan3A_105 = arith.constant 1 : i32
    scf.for %scan3A_191 = %scan3A_102 to %scan3A_104 step %scan3A_105  : i32 {
      %mul3A_192 = arith.constant 4 : i32
      %mul3A_193 = arith.muli %scan3A_191, %mul3A_192 : i32
      %add3A_194 = arith.constant 0 : i32
      %add3A_195 = arith.addi %mul3A_193, %add3A_194 : i32
      %add3A_196 = arith.constant 4 : i32
      %add3A_197 = arith.addi %add3A_195, %add3A_196 : i32
      %sub3A = arith.constant 1 : i32
      %sub3A_198 = arith.subi %add3A_197, %sub3A : i32
      %lt3A = arith.constant 256 : i32
      %lt3A_199 = arith.cmpi slt, %sub3A_198, %lt3A : i32
      %convert_element_type3A_200 = arith.extui %lt3A_199 : i1 to i32
      %cond3A_201 = arith.constant 0 : i32
      %cond3A_202 = arith.cmpi ne, %convert_element_type3A_200, %cond3A_201 : i32
      scf.if %cond3A_202 {
        %ge3A = arith.constant 1 : i32
        %ge3A_591 = arith.cmpi sge, %add3A_195, %ge3A : i32
        %convert_element_type3A_592 = arith.extui %ge3A_591 : i1 to i32
        %cond3A_593 = arith.constant 0 : i32
        %cond3A_594 = arith.cmpi ne, %convert_element_type3A_592, %cond3A_593 : i32
        scf.if %cond3A_594 {
          %dma_wait3A_616 = arith.constant 0 : i32
          %dma_wait3A_617 = arith.constant 3 : i32
          %dma_wait3A_618 = arith.constant 3 : i32
          %dma_wait3A_619 = arith.constant 0 : i32
          %dma_wait3A_620 = arith.constant 0 : i32
          %dma_wait3A_621 = tpu.memref_slice %arg7[%dma_wait3A_617, %dma_wait3A_619, %dma_wait3A_620] : memref<4x100x64xf32, #tpu.memory_space<vmem>> -> memref<1x100x64xf32, #tpu.memory_space<vmem>>
          %dma_wait3A_622 = tpu.memref_squeeze %dma_wait3A_621 : memref<1x100x64xf32, #tpu.memory_space<vmem>> -> memref<100x64xf32, #tpu.memory_space<vmem>>
          %dma_wait3A_623 = arith.constant 0 : i32
          %dma_wait3A_624 = arith.constant 0 : i32
          %dma_wait3A_625 = tpu.memref_slice %arg5[%dma_wait3A_616, %dma_wait3A_623, %dma_wait3A_624] : memref<4096x200x128xf32, #tpu.memory_space<hbm>> -> memref<1x100x64xf32, #tpu.memory_space<hbm>>
          %dma_wait3A_626 = tpu.memref_squeeze %dma_wait3A_625 : memref<1x100x64xf32, #tpu.memory_space<hbm>> -> memref<100x64xf32, #tpu.memory_space<hbm>>
          %dma_wait3A_627 = tpu.memref_slice %arg11[%dma_wait3A_618] : memref<4x!tpu.dma_semaphore, #tpu.memory_space<semaphore_mem>> -> memref<1x!tpu.dma_semaphore, #tpu.memory_space<semaphore_mem>>
          %dma_wait3A_628 = tpu.memref_squeeze %dma_wait3A_627 : memref<1x!tpu.dma_semaphore, #tpu.memory_space<semaphore_mem>> -> memref<!tpu.dma_semaphore, #tpu.memory_space<semaphore_mem>>
          %dma_wait3A_629 = arith.constant 0 : i32
          %dma_wait3A_630 = arith.constant 0 : i32
          %dma_wait3A_631 = tpu.memref_slice %arg7[%dma_wait3A_617, %dma_wait3A_629, %dma_wait3A_630] : memref<4x100x64xf32, #tpu.memory_space<vmem>> -> memref<1x100x64xf32, #tpu.memory_space<vmem>>
          %dma_wait3A_632 = tpu.memref_squeeze %dma_wait3A_631 : memref<1x100x64xf32, #tpu.memory_space<vmem>> -> memref<100x64xf32, #tpu.memory_space<vmem>>
          %dma_wait3A_633 = arith.constant 0 : i32
          %dma_wait3A_634 = arith.constant 0 : i32
          %dma_wait3A_635 = tpu.memref_slice %arg5[%dma_wait3A_616, %dma_wait3A_633, %dma_wait3A_634] : memref<4096x200x128xf32, #tpu.memory_space<hbm>> -> memref<1x100x64xf32, #tpu.memory_space<hbm>>
          %dma_wait3A_636 = tpu.memref_squeeze %dma_wait3A_635 : memref<1x100x64xf32, #tpu.memory_space<hbm>> -> memref<100x64xf32, #tpu.memory_space<hbm>>
          tpu.wait_dma2 semaphore(%dma_wait3A_628 : memref<!tpu.dma_semaphore, #tpu.memory_space<semaphore_mem>>) src(%dma_wait3A_636 : memref<100x64xf32, #tpu.memory_space<hbm>>) dst(%dma_wait3A_632 : memref<100x64xf32, #tpu.memory_space<vmem>>)
        } else {
        }
        %dma_start3A_595 = arith.constant 1 : i32
        %dma_start3A_596 = arith.constant 3 : i32
        %dma_start3A_597 = arith.constant 3 : i32
        %dma_start3A_598 = arith.constant 0 : i32
        %dma_start3A_599 = arith.constant 0 : i32
        %dma_start3A_600 = tpu.memref_slice %arg7[%dma_start3A_596, %dma_start3A_598, %dma_start3A_599] : memref<4x100x64xf32, #tpu.memory_space<vmem>> -> memref<1x100x64xf32, #tpu.memory_space<vmem>>
        %dma_start3A_601 = tpu.memref_squeeze %dma_start3A_600 : memref<1x100x64xf32, #tpu.memory_space<vmem>> -> memref<100x64xf32, #tpu.memory_space<vmem>>
        %dma_start3A_602 = arith.constant 0 : i32
        %dma_start3A_603 = arith.constant 0 : i32
        %dma_start3A_604 = tpu.memref_slice %arg8[%dma_start3A_595, %dma_start3A_602, %dma_start3A_603] : memref<2x100x64xf32, #tpu.memory_space<vmem_shared>> -> memref<1x100x64xf32, #tpu.memory_space<vmem_shared>>
        %dma_start3A_605 = tpu.memref_squeeze %dma_start3A_604 : memref<1x100x64xf32, #tpu.memory_space<vmem_shared>> -> memref<100x64xf32, #tpu.memory_space<vmem_shared>>
        %dma_start3A_606 = tpu.memref_slice %arg9[%dma_start3A_597] : memref<4x!tpu.dma_semaphore, #tpu.memory_space<semaphore_mem>> -> memref<1x!tpu.dma_semaphore, #tpu.memory_space<semaphore_mem>>
        %dma_start3A_607 = tpu.memref_squeeze %dma_start3A_606 : memref<1x!tpu.dma_semaphore, #tpu.memory_space<semaphore_mem>> -> memref<!tpu.dma_semaphore, #tpu.memory_space<semaphore_mem>>
        %dma_start3A_608 = arith.constant 0 : i32
        %dma_start3A_609 = arith.constant 0 : i32
        %dma_start3A_610 = tpu.memref_slice %arg7[%dma_start3A_596, %dma_start3A_608, %dma_start3A_609] : memref<4x100x64xf32, #tpu.memory_space<vmem>> -> memref<1x100x64xf32, #tpu.memory_space<vmem>>
        %dma_start3A_611 = tpu.memref_squeeze %dma_start3A_610 : memref<1x100x64xf32, #tpu.memory_space<vmem>> -> memref<100x64xf32, #tpu.memory_space<vmem>>
        %dma_start3A_612 = arith.constant 0 : i32
        %dma_start3A_613 = arith.constant 0 : i32
        %dma_start3A_614 = tpu.memref_slice %arg8[%dma_start3A_595, %dma_start3A_612, %dma_start3A_613] : memref<2x100x64xf32, #tpu.memory_space<vmem_shared>> -> memref<1x100x64xf32, #tpu.memory_space<vmem_shared>>
        %dma_start3A_615 = tpu.memref_squeeze %dma_start3A_614 : memref<1x100x64xf32, #tpu.memory_space<vmem_shared>> -> memref<100x64xf32, #tpu.memory_space<vmem_shared>>
        tpu.enqueue_dma source(%dma_start3A_615 : memref<100x64xf32, #tpu.memory_space<vmem_shared>>) target(%dma_start3A_611 : memref<100x64xf32, #tpu.memory_space<vmem>>) target_semaphore(%dma_start3A_607 : memref<!tpu.dma_semaphore, #tpu.memory_space<semaphore_mem>>)
      } else {
      }
      %add3A_203 = arith.constant 1 : i32
      %add3A_204 = arith.addi %add3A_195, %add3A_203 : i32
      %lt3A_205 = arith.constant 256 : i32
      %lt3A_206 = arith.cmpi slt, %add3A_204, %lt3A_205 : i32
      %convert_element_type3A_207 = arith.extui %lt3A_206 : i1 to i32
      %cond3A_208 = arith.constant 0 : i32
      %cond3A_209 = arith.cmpi ne, %convert_element_type3A_207, %cond3A_208 : i32
      scf.if %cond3A_209 {
        %dma_wait3A_591 = arith.constant 0 : i32
        %dma_wait3A_592 = arith.constant 1 : i32
        %dma_wait3A_593 = arith.constant 1 : i32
        %dma_wait3A_594 = arith.constant 0 : i32
        %dma_wait3A_595 = arith.constant 0 : i32
        %dma_wait3A_596 = tpu.memref_slice %arg7[%dma_wait3A_592, %dma_wait3A_594, %dma_wait3A_595] : memref<4x100x64xf32, #tpu.memory_space<vmem>> -> memref<1x100x64xf32, #tpu.memory_space<vmem>>
        %dma_wait3A_597 = tpu.memref_squeeze %dma_wait3A_596 : memref<1x100x64xf32, #tpu.memory_space<vmem>> -> memref<100x64xf32, #tpu.memory_space<vmem>>
        %dma_wait3A_598 = arith.constant 0 : i32
        %dma_wait3A_599 = arith.constant 0 : i32
        %dma_wait3A_600 = tpu.memref_slice %arg5[%dma_wait3A_591, %dma_wait3A_598, %dma_wait3A_599] : memref<4096x200x128xf32, #tpu.memory_space<hbm>> -> memref<1x100x64xf32, #tpu.memory_space<hbm>>
        %dma_wait3A_601 = tpu.memref_squeeze %dma_wait3A_600 : memref<1x100x64xf32, #tpu.memory_space<hbm>> -> memref<100x64xf32, #tpu.memory_space<hbm>>
        %dma_wait3A_602 = tpu.memref_slice %arg9[%dma_wait3A_593] : memref<4x!tpu.dma_semaphore, #tpu.memory_space<semaphore_mem>> -> memref<1x!tpu.dma_semaphore, #tpu.memory_space<semaphore_mem>>
        %dma_wait3A_603 = tpu.memref_squeeze %dma_wait3A_602 : memref<1x!tpu.dma_semaphore, #tpu.memory_space<semaphore_mem>> -> memref<!tpu.dma_semaphore, #tpu.memory_space<semaphore_mem>>
        %dma_wait3A_604 = arith.constant 0 : i32
        %dma_wait3A_605 = arith.constant 0 : i32
        %dma_wait3A_606 = tpu.memref_slice %arg7[%dma_wait3A_592, %dma_wait3A_604, %dma_wait3A_605] : memref<4x100x64xf32, #tpu.memory_space<vmem>> -> memref<1x100x64xf32, #tpu.memory_space<vmem>>
        %dma_wait3A_607 = tpu.memref_squeeze %dma_wait3A_606 : memref<1x100x64xf32, #tpu.memory_space<vmem>> -> memref<100x64xf32, #tpu.memory_space<vmem>>
        %dma_wait3A_608 = arith.constant 0 : i32
        %dma_wait3A_609 = arith.constant 0 : i32
        %dma_wait3A_610 = tpu.memref_slice %arg5[%dma_wait3A_591, %dma_wait3A_608, %dma_wait3A_609] : memref<4096x200x128xf32, #tpu.memory_space<hbm>> -> memref<1x100x64xf32, #tpu.memory_space<hbm>>
        %dma_wait3A_611 = tpu.memref_squeeze %dma_wait3A_610 : memref<1x100x64xf32, #tpu.memory_space<hbm>> -> memref<100x64xf32, #tpu.memory_space<hbm>>
        tpu.wait_dma2 semaphore(%dma_wait3A_603 : memref<!tpu.dma_semaphore, #tpu.memory_space<semaphore_mem>>) src(%dma_wait3A_611 : memref<100x64xf32, #tpu.memory_space<hbm>>) dst(%dma_wait3A_607 : memref<100x64xf32, #tpu.memory_space<vmem>>)
        %add3A_612 = arith.constant 1 : i32
        %add3A_613 = arith.addi %add3A_195, %add3A_612 : i32
        %dma_start3A_614 = arith.constant 1 : i32
        %dma_start3A_615 = arith.constant 1 : i32
        %dma_start3A_616 = arith.constant 0 : i32
        %dma_start3A_617 = arith.constant 0 : i32
        %dma_start3A_618 = tpu.memref_slice %arg7[%dma_start3A_614, %dma_start3A_616, %dma_start3A_617] : memref<4x100x64xf32, #tpu.memory_space<vmem>> -> memref<1x100x64xf32, #tpu.memory_space<vmem>>
        %dma_start3A_619 = tpu.memref_squeeze %dma_start3A_618 : memref<1x100x64xf32, #tpu.memory_space<vmem>> -> memref<100x64xf32, #tpu.memory_space<vmem>>
        %dma_start3A_620 = arith.constant 0 : i32
        %dma_start3A_621 = tpu.memref_slice %arg6[%add3A_613, %dma_start3A_620] : memref<256x100xi32, #tpu.memory_space<vmem>> -> memref<1x100xi32, #tpu.memory_space<vmem>>
        %dma_start3A_622 = tpu.memref_squeeze %dma_start3A_621 : memref<1x100xi32, #tpu.memory_space<vmem>> -> memref<100xi32, #tpu.memory_space<vmem>>
        %dma_start3A_623 = arith.constant 0 : i32
        %dma_start3A_624 = arith.constant 0 : i32
        %dma_start3A_625 = tpu.memref_slice %arg4[%dma_start3A_623, %dma_start3A_624] : memref<1048576x64xf32, #tpu.memory_space<hbm>> -> memref<1048576x64xf32, #tpu.memory_space<hbm>>
        %dma_start3A_626 = tpu.memref_slice %arg10[%dma_start3A_615] : memref<4x!tpu.dma_semaphore, #tpu.memory_space<semaphore_mem>> -> memref<1x!tpu.dma_semaphore, #tpu.memory_space<semaphore_mem>>
        %dma_start3A_627 = tpu.memref_squeeze %dma_start3A_626 : memref<1x!tpu.dma_semaphore, #tpu.memory_space<semaphore_mem>> -> memref<!tpu.dma_semaphore, #tpu.memory_space<semaphore_mem>>
        tpu.enqueue_indirect_dma source(%dma_start3A_625 : memref<1048576x64xf32, #tpu.memory_space<hbm>>) target(%dma_start3A_619 : memref<100x64xf32, #tpu.memory_space<vmem>>) offsets(%dma_start3A_622 : memref<100xi32, #tpu.memory_space<vmem>>) semaphore(%dma_start3A_627 : memref<!tpu.dma_semaphore, #tpu.memory_space<semaphore_mem>>) {add = true}
      } else {
      }
      %dma_wait3A_210 = arith.constant 0 : i32
      %dma_wait3A_211 = arith.constant 0 : i32
      %dma_wait3A_212 = arith.constant 0 : i32
      %dma_wait3A_213 = arith.constant 0 : i32
      %dma_wait3A_214 = arith.constant 0 : i32
      %dma_wait3A_215 = tpu.memref_slice %arg7[%dma_wait3A_211, %dma_wait3A_213, %dma_wait3A_214] : memref<4x100x64xf32, #tpu.memory_space<vmem>> -> memref<1x100x64xf32, #tpu.memory_space<vmem>>
      %dma_wait3A_216 = tpu.memref_squeeze %dma_wait3A_215 : memref<1x100x64xf32, #tpu.memory_space<vmem>> -> memref<100x64xf32, #tpu.memory_space<vmem>>
      %dma_wait3A_217 = arith.constant 0 : i32
      %dma_wait3A_218 = arith.constant 0 : i32
      %dma_wait3A_219 = tpu.memref_slice %arg5[%dma_wait3A_210, %dma_wait3A_217, %dma_wait3A_218] : memref<4096x200x128xf32, #tpu.memory_space<hbm>> -> memref<1x100x64xf32, #tpu.memory_space<hbm>>
      %dma_wait3A_220 = tpu.memref_squeeze %dma_wait3A_219 : memref<1x100x64xf32, #tpu.memory_space<hbm>> -> memref<100x64xf32, #tpu.memory_space<hbm>>
      %dma_wait3A_221 = tpu.memref_slice %arg10[%dma_wait3A_212] : memref<4x!tpu.dma_semaphore, #tpu.memory_space<semaphore_mem>> -> memref<1x!tpu.dma_semaphore, #tpu.memory_space<semaphore_mem>>
      %dma_wait3A_222 = tpu.memref_squeeze %dma_wait3A_221 : memref<1x!tpu.dma_semaphore, #tpu.memory_space<semaphore_mem>> -> memref<!tpu.dma_semaphore, #tpu.memory_space<semaphore_mem>>
      %dma_wait3A_223 = arith.constant 0 : i32
      %dma_wait3A_224 = arith.constant 0 : i32
      %dma_wait3A_225 = tpu.memref_slice %arg7[%dma_wait3A_211, %dma_wait3A_223, %dma_wait3A_224] : memref<4x100x64xf32, #tpu.memory_space<vmem>> -> memref<1x100x64xf32, #tpu.memory_space<vmem>>
      %dma_wait3A_226 = tpu.memref_squeeze %dma_wait3A_225 : memref<1x100x64xf32, #tpu.memory_space<vmem>> -> memref<100x64xf32, #tpu.memory_space<vmem>>
      %dma_wait3A_227 = arith.constant 0 : i32
      %dma_wait3A_228 = arith.constant 0 : i32
      %dma_wait3A_229 = tpu.memref_slice %arg5[%dma_wait3A_210, %dma_wait3A_227, %dma_wait3A_228] : memref<4096x200x128xf32, #tpu.memory_space<hbm>> -> memref<1x100x64xf32, #tpu.memory_space<hbm>>
      %dma_wait3A_230 = tpu.memref_squeeze %dma_wait3A_229 : memref<1x100x64xf32, #tpu.memory_space<hbm>> -> memref<100x64xf32, #tpu.memory_space<hbm>>
      tpu.wait_dma2 semaphore(%dma_wait3A_222 : memref<!tpu.dma_semaphore, #tpu.memory_space<semaphore_mem>>) src(%dma_wait3A_230 : memref<100x64xf32, #tpu.memory_space<hbm>>) dst(%dma_wait3A_226 : memref<100x64xf32, #tpu.memory_space<vmem>>)
      %add3A_231 = arith.addi %mul3A_2, %add3A_195 : i32
      %jit3A = arith.constant 2 : i32
      %div3A = arith.divsi %add3A_231, %jit3A : i32
      %sign3A = arith.constant 0 : i32
      %sign3A_232 = arith.cmpi sgt, %add3A_231, %sign3A : i32
      %sign3A_233 = arith.extui %sign3A_232 : i1 to i32
      %sign3A_234 = arith.constant 0 : i32
      %sign3A_235 = arith.cmpi slt, %add3A_231, %sign3A_234 : i32
      %sign3A_236 = arith.extui %sign3A_235 : i1 to i32
      %sign3A_237 = arith.subi %sign3A_233, %sign3A_236 : i32
      %sign3A_238 = arith.constant 0 : i32
      %sign3A_239 = arith.cmpi sgt, %jit3A, %sign3A_238 : i32
      %sign3A_240 = arith.extui %sign3A_239 : i1 to i32
      %sign3A_241 = arith.constant 0 : i32
      %sign3A_242 = arith.cmpi slt, %jit3A, %sign3A_241 : i32
      %sign3A_243 = arith.extui %sign3A_242 : i1 to i32
      %sign3A_244 = arith.subi %sign3A_240, %sign3A_243 : i32
      %ne3A = arith.cmpi ne, %sign3A_237, %sign3A_244 : i32
      %rem3A = arith.remsi %add3A_231, %jit3A : i32
      %ne3A_245 = arith.constant 0 : i32
      %ne3A_246 = arith.cmpi ne, %rem3A, %ne3A_245 : i32
      %and3A = arith.andi %ne3A, %ne3A_246 : i1
      %sub3A_247 = arith.constant 1 : i32
      %sub3A_248 = arith.subi %div3A, %sub3A_247 : i32
      %select_n3A = arith.select %and3A, %sub3A_248, %div3A : i32
      %jit3A_249 = arith.constant 2 : i32
      %eq3A_250 = arith.constant 0 : i32
      %eq3A_251 = arith.cmpi eq, %jit3A_249, %eq3A_250 : i32
      %jit3A_252 = arith.constant 1 : i32
      %select_n3A_253 = arith.select %eq3A_251, %jit3A_252, %jit3A_249 : i32
      %rem3A_254 = arith.remsi %add3A_231, %select_n3A_253 : i32
      %ne3A_255 = arith.constant 0 : i32
      %ne3A_256 = arith.cmpi ne, %rem3A_254, %ne3A_255 : i32
      %lt3A_257 = arith.constant 0 : i32
      %lt3A_258 = arith.cmpi slt, %rem3A_254, %lt3A_257 : i32
      %lt3A_259 = arith.constant 0 : i32
      %lt3A_260 = arith.cmpi slt, %select_n3A_253, %lt3A_259 : i32
      %ne3A_261 = arith.xori %lt3A_258, %lt3A_260 : i1
      %and3A_262 = arith.andi %ne3A_261, %ne3A_256 : i1
      %add3A_263 = arith.addi %rem3A_254, %select_n3A_253 : i32
      %select_n3A_264 = arith.select %and3A_262, %add3A_263, %rem3A_254 : i32
      %mul3A_265 = arith.constant 100 : i32
      %mul3A_266 = arith.muli %select_n3A_264, %mul3A_265 : i32
      %dma_start3A_267 = arith.constant 0 : i32
      %dma_start3A_268 = arith.constant 0 : i32
      %dma_start3A_269 = arith.constant 0 : i32
      %dma_start3A_270 = arith.constant 0 : i32
      %dma_start3A_271 = tpu.memref_slice %arg7[%dma_start3A_267, %dma_start3A_269, %dma_start3A_270] : memref<4x100x64xf32, #tpu.memory_space<vmem>> -> memref<1x100x64xf32, #tpu.memory_space<vmem>>
      %dma_start3A_272 = tpu.memref_squeeze %dma_start3A_271 : memref<1x100x64xf32, #tpu.memory_space<vmem>> -> memref<100x64xf32, #tpu.memory_space<vmem>>
      %dma_start3A_273 = arith.constant 0 : i32
      %dma_start3A_274 = tpu.memref_slice %arg5[%select_n3A, %mul3A_266, %dma_start3A_273] : memref<4096x200x128xf32, #tpu.memory_space<hbm>> -> memref<1x100x64xf32, #tpu.memory_space<hbm>>
      %dma_start3A_275 = tpu.memref_squeeze %dma_start3A_274 : memref<1x100x64xf32, #tpu.memory_space<hbm>> -> memref<100x64xf32, #tpu.memory_space<hbm>>
      %dma_start3A_276 = tpu.memref_slice %arg11[%dma_start3A_268] : memref<4x!tpu.dma_semaphore, #tpu.memory_space<semaphore_mem>> -> memref<1x!tpu.dma_semaphore, #tpu.memory_space<semaphore_mem>>
      %dma_start3A_277 = tpu.memref_squeeze %dma_start3A_276 : memref<1x!tpu.dma_semaphore, #tpu.memory_space<semaphore_mem>> -> memref<!tpu.dma_semaphore, #tpu.memory_space<semaphore_mem>>
      %dma_start3A_278 = arith.constant 0 : i32
      %dma_start3A_279 = tpu.memref_slice %arg5[%select_n3A, %mul3A_266, %dma_start3A_278] : memref<4096x200x128xf32, #tpu.memory_space<hbm>> -> memref<1x100x64xf32, #tpu.memory_space<hbm>>
      %dma_start3A_280 = tpu.memref_squeeze %dma_start3A_279 : memref<1x100x64xf32, #tpu.memory_space<hbm>> -> memref<100x64xf32, #tpu.memory_space<hbm>>
      %dma_start3A_281 = arith.constant 0 : i32
      %dma_start3A_282 = arith.constant 0 : i32
      %dma_start3A_283 = tpu.memref_slice %arg7[%dma_start3A_267, %dma_start3A_281, %dma_start3A_282] : memref<4x100x64xf32, #tpu.memory_space<vmem>> -> memref<1x100x64xf32, #tpu.memory_space<vmem>>
      %dma_start3A_284 = tpu.memref_squeeze %dma_start3A_283 : memref<1x100x64xf32, #tpu.memory_space<vmem>> -> memref<100x64xf32, #tpu.memory_space<vmem>>
      tpu.enqueue_dma source(%dma_start3A_284 : memref<100x64xf32, #tpu.memory_space<vmem>>) target(%dma_start3A_280 : memref<100x64xf32, #tpu.memory_space<hbm>>) target_semaphore(%dma_start3A_277 : memref<!tpu.dma_semaphore, #tpu.memory_space<semaphore_mem>>)
      %mul3A_285 = arith.constant 4 : i32
      %mul3A_286 = arith.muli %scan3A_191, %mul3A_285 : i32
      %add3A_287 = arith.constant 1 : i32
      %add3A_288 = arith.addi %mul3A_286, %add3A_287 : i32
      %add3A_289 = arith.constant 4 : i32
      %add3A_290 = arith.addi %add3A_288, %add3A_289 : i32
      %sub3A_291 = arith.constant 1 : i32
      %sub3A_292 = arith.subi %add3A_290, %sub3A_291 : i32
      %lt3A_293 = arith.constant 256 : i32
      %lt3A_294 = arith.cmpi slt, %sub3A_292, %lt3A_293 : i32
      %convert_element_type3A_295 = arith.extui %lt3A_294 : i1 to i32
      %cond3A_296 = arith.constant 0 : i32
      %cond3A_297 = arith.cmpi ne, %convert_element_type3A_295, %cond3A_296 : i32
      scf.if %cond3A_297 {
        %ge3A = arith.constant 1 : i32
        %ge3A_591 = arith.cmpi sge, %add3A_288, %ge3A : i32
        %convert_element_type3A_592 = arith.extui %ge3A_591 : i1 to i32
        %cond3A_593 = arith.constant 0 : i32
        %cond3A_594 = arith.cmpi ne, %convert_element_type3A_592, %cond3A_593 : i32
        scf.if %cond3A_594 {
          %dma_wait3A_616 = arith.constant 0 : i32
          %dma_wait3A_617 = arith.constant 0 : i32
          %dma_wait3A_618 = arith.constant 0 : i32
          %dma_wait3A_619 = arith.constant 0 : i32
          %dma_wait3A_620 = arith.constant 0 : i32
          %dma_wait3A_621 = tpu.memref_slice %arg7[%dma_wait3A_617, %dma_wait3A_619, %dma_wait3A_620] : memref<4x100x64xf32, #tpu.memory_space<vmem>> -> memref<1x100x64xf32, #tpu.memory_space<vmem>>
          %dma_wait3A_622 = tpu.memref_squeeze %dma_wait3A_621 : memref<1x100x64xf32, #tpu.memory_space<vmem>> -> memref<100x64xf32, #tpu.memory_space<vmem>>
          %dma_wait3A_623 = arith.constant 0 : i32
          %dma_wait3A_624 = arith.constant 0 : i32
          %dma_wait3A_625 = tpu.memref_slice %arg5[%dma_wait3A_616, %dma_wait3A_623, %dma_wait3A_624] : memref<4096x200x128xf32, #tpu.memory_space<hbm>> -> memref<1x100x64xf32, #tpu.memory_space<hbm>>
          %dma_wait3A_626 = tpu.memref_squeeze %dma_wait3A_625 : memref<1x100x64xf32, #tpu.memory_space<hbm>> -> memref<100x64xf32, #tpu.memory_space<hbm>>
          %dma_wait3A_627 = tpu.memref_slice %arg11[%dma_wait3A_618] : memref<4x!tpu.dma_semaphore, #tpu.memory_space<semaphore_mem>> -> memref<1x!tpu.dma_semaphore, #tpu.memory_space<semaphore_mem>>
          %dma_wait3A_628 = tpu.memref_squeeze %dma_wait3A_627 : memref<1x!tpu.dma_semaphore, #tpu.memory_space<semaphore_mem>> -> memref<!tpu.dma_semaphore, #tpu.memory_space<semaphore_mem>>
          %dma_wait3A_629 = arith.constant 0 : i32
          %dma_wait3A_630 = arith.constant 0 : i32
          %dma_wait3A_631 = tpu.memref_slice %arg7[%dma_wait3A_617, %dma_wait3A_629, %dma_wait3A_630] : memref<4x100x64xf32, #tpu.memory_space<vmem>> -> memref<1x100x64xf32, #tpu.memory_space<vmem>>
          %dma_wait3A_632 = tpu.memref_squeeze %dma_wait3A_631 : memref<1x100x64xf32, #tpu.memory_space<vmem>> -> memref<100x64xf32, #tpu.memory_space<vmem>>
          %dma_wait3A_633 = arith.constant 0 : i32
          %dma_wait3A_634 = arith.constant 0 : i32
          %dma_wait3A_635 = tpu.memref_slice %arg5[%dma_wait3A_616, %dma_wait3A_633, %dma_wait3A_634] : memref<4096x200x128xf32, #tpu.memory_space<hbm>> -> memref<1x100x64xf32, #tpu.memory_space<hbm>>
          %dma_wait3A_636 = tpu.memref_squeeze %dma_wait3A_635 : memref<1x100x64xf32, #tpu.memory_space<hbm>> -> memref<100x64xf32, #tpu.memory_space<hbm>>
          tpu.wait_dma2 semaphore(%dma_wait3A_628 : memref<!tpu.dma_semaphore, #tpu.memory_space<semaphore_mem>>) src(%dma_wait3A_636 : memref<100x64xf32, #tpu.memory_space<hbm>>) dst(%dma_wait3A_632 : memref<100x64xf32, #tpu.memory_space<vmem>>)
        } else {
        }
        %dma_start3A_595 = arith.constant 0 : i32
        %dma_start3A_596 = arith.constant 0 : i32
        %dma_start3A_597 = arith.constant 0 : i32
        %dma_start3A_598 = arith.constant 0 : i32
        %dma_start3A_599 = arith.constant 0 : i32
        %dma_start3A_600 = tpu.memref_slice %arg7[%dma_start3A_596, %dma_start3A_598, %dma_start3A_599] : memref<4x100x64xf32, #tpu.memory_space<vmem>> -> memref<1x100x64xf32, #tpu.memory_space<vmem>>
        %dma_start3A_601 = tpu.memref_squeeze %dma_start3A_600 : memref<1x100x64xf32, #tpu.memory_space<vmem>> -> memref<100x64xf32, #tpu.memory_space<vmem>>
        %dma_start3A_602 = arith.constant 0 : i32
        %dma_start3A_603 = arith.constant 0 : i32
        %dma_start3A_604 = tpu.memref_slice %arg8[%dma_start3A_595, %dma_start3A_602, %dma_start3A_603] : memref<2x100x64xf32, #tpu.memory_space<vmem_shared>> -> memref<1x100x64xf32, #tpu.memory_space<vmem_shared>>
        %dma_start3A_605 = tpu.memref_squeeze %dma_start3A_604 : memref<1x100x64xf32, #tpu.memory_space<vmem_shared>> -> memref<100x64xf32, #tpu.memory_space<vmem_shared>>
        %dma_start3A_606 = tpu.memref_slice %arg9[%dma_start3A_597] : memref<4x!tpu.dma_semaphore, #tpu.memory_space<semaphore_mem>> -> memref<1x!tpu.dma_semaphore, #tpu.memory_space<semaphore_mem>>
        %dma_start3A_607 = tpu.memref_squeeze %dma_start3A_606 : memref<1x!tpu.dma_semaphore, #tpu.memory_space<semaphore_mem>> -> memref<!tpu.dma_semaphore, #tpu.memory_space<semaphore_mem>>
        %dma_start3A_608 = arith.constant 0 : i32
        %dma_start3A_609 = arith.constant 0 : i32
        %dma_start3A_610 = tpu.memref_slice %arg7[%dma_start3A_596, %dma_start3A_608, %dma_start3A_609] : memref<4x100x64xf32, #tpu.memory_space<vmem>> -> memref<1x100x64xf32, #tpu.memory_space<vmem>>
        %dma_start3A_611 = tpu.memref_squeeze %dma_start3A_610 : memref<1x100x64xf32, #tpu.memory_space<vmem>> -> memref<100x64xf32, #tpu.memory_space<vmem>>
        %dma_start3A_612 = arith.constant 0 : i32
        %dma_start3A_613 = arith.constant 0 : i32
        %dma_start3A_614 = tpu.memref_slice %arg8[%dma_start3A_595, %dma_start3A_612, %dma_start3A_613] : memref<2x100x64xf32, #tpu.memory_space<vmem_shared>> -> memref<1x100x64xf32, #tpu.memory_space<vmem_shared>>
        %dma_start3A_615 = tpu.memref_squeeze %dma_start3A_614 : memref<1x100x64xf32, #tpu.memory_space<vmem_shared>> -> memref<100x64xf32, #tpu.memory_space<vmem_shared>>
        tpu.enqueue_dma source(%dma_start3A_615 : memref<100x64xf32, #tpu.memory_space<vmem_shared>>) target(%dma_start3A_611 : memref<100x64xf32, #tpu.memory_space<vmem>>) target_semaphore(%dma_start3A_607 : memref<!tpu.dma_semaphore, #tpu.memory_space<semaphore_mem>>)
      } else {
      }
      %add3A_298 = arith.constant 1 : i32
      %add3A_299 = arith.addi %add3A_288, %add3A_298 : i32
      %lt3A_300 = arith.constant 256 : i32
      %lt3A_301 = arith.cmpi slt, %add3A_299, %lt3A_300 : i32
      %convert_element_type3A_302 = arith.extui %lt3A_301 : i1 to i32
      %cond3A_303 = arith.constant 0 : i32
      %cond3A_304 = arith.cmpi ne, %convert_element_type3A_302, %cond3A_303 : i32
      scf.if %cond3A_304 {
        %dma_wait3A_591 = arith.constant 0 : i32
        %dma_wait3A_592 = arith.constant 2 : i32
        %dma_wait3A_593 = arith.constant 2 : i32
        %dma_wait3A_594 = arith.constant 0 : i32
        %dma_wait3A_595 = arith.constant 0 : i32
        %dma_wait3A_596 = tpu.memref_slice %arg7[%dma_wait3A_592, %dma_wait3A_594, %dma_wait3A_595] : memref<4x100x64xf32, #tpu.memory_space<vmem>> -> memref<1x100x64xf32, #tpu.memory_space<vmem>>
        %dma_wait3A_597 = tpu.memref_squeeze %dma_wait3A_596 : memref<1x100x64xf32, #tpu.memory_space<vmem>> -> memref<100x64xf32, #tpu.memory_space<vmem>>
        %dma_wait3A_598 = arith.constant 0 : i32
        %dma_wait3A_599 = arith.constant 0 : i32
        %dma_wait3A_600 = tpu.memref_slice %arg5[%dma_wait3A_591, %dma_wait3A_598, %dma_wait3A_599] : memref<4096x200x128xf32, #tpu.memory_space<hbm>> -> memref<1x100x64xf32, #tpu.memory_space<hbm>>
        %dma_wait3A_601 = tpu.memref_squeeze %dma_wait3A_600 : memref<1x100x64xf32, #tpu.memory_space<hbm>> -> memref<100x64xf32, #tpu.memory_space<hbm>>
        %dma_wait3A_602 = tpu.memref_slice %arg9[%dma_wait3A_593] : memref<4x!tpu.dma_semaphore, #tpu.memory_space<semaphore_mem>> -> memref<1x!tpu.dma_semaphore, #tpu.memory_space<semaphore_mem>>
        %dma_wait3A_603 = tpu.memref_squeeze %dma_wait3A_602 : memref<1x!tpu.dma_semaphore, #tpu.memory_space<semaphore_mem>> -> memref<!tpu.dma_semaphore, #tpu.memory_space<semaphore_mem>>
        %dma_wait3A_604 = arith.constant 0 : i32
        %dma_wait3A_605 = arith.constant 0 : i32
        %dma_wait3A_606 = tpu.memref_slice %arg7[%dma_wait3A_592, %dma_wait3A_604, %dma_wait3A_605] : memref<4x100x64xf32, #tpu.memory_space<vmem>> -> memref<1x100x64xf32, #tpu.memory_space<vmem>>
        %dma_wait3A_607 = tpu.memref_squeeze %dma_wait3A_606 : memref<1x100x64xf32, #tpu.memory_space<vmem>> -> memref<100x64xf32, #tpu.memory_space<vmem>>
        %dma_wait3A_608 = arith.constant 0 : i32
        %dma_wait3A_609 = arith.constant 0 : i32
        %dma_wait3A_610 = tpu.memref_slice %arg5[%dma_wait3A_591, %dma_wait3A_608, %dma_wait3A_609] : memref<4096x200x128xf32, #tpu.memory_space<hbm>> -> memref<1x100x64xf32, #tpu.memory_space<hbm>>
        %dma_wait3A_611 = tpu.memref_squeeze %dma_wait3A_610 : memref<1x100x64xf32, #tpu.memory_space<hbm>> -> memref<100x64xf32, #tpu.memory_space<hbm>>
        tpu.wait_dma2 semaphore(%dma_wait3A_603 : memref<!tpu.dma_semaphore, #tpu.memory_space<semaphore_mem>>) src(%dma_wait3A_611 : memref<100x64xf32, #tpu.memory_space<hbm>>) dst(%dma_wait3A_607 : memref<100x64xf32, #tpu.memory_space<vmem>>)
        %add3A_612 = arith.constant 1 : i32
        %add3A_613 = arith.addi %add3A_288, %add3A_612 : i32
        %dma_start3A_614 = arith.constant 2 : i32
        %dma_start3A_615 = arith.constant 2 : i32
        %dma_start3A_616 = arith.constant 0 : i32
        %dma_start3A_617 = arith.constant 0 : i32
        %dma_start3A_618 = tpu.memref_slice %arg7[%dma_start3A_614, %dma_start3A_616, %dma_start3A_617] : memref<4x100x64xf32, #tpu.memory_space<vmem>> -> memref<1x100x64xf32, #tpu.memory_space<vmem>>
        %dma_start3A_619 = tpu.memref_squeeze %dma_start3A_618 : memref<1x100x64xf32, #tpu.memory_space<vmem>> -> memref<100x64xf32, #tpu.memory_space<vmem>>
        %dma_start3A_620 = arith.constant 0 : i32
        %dma_start3A_621 = tpu.memref_slice %arg6[%add3A_613, %dma_start3A_620] : memref<256x100xi32, #tpu.memory_space<vmem>> -> memref<1x100xi32, #tpu.memory_space<vmem>>
        %dma_start3A_622 = tpu.memref_squeeze %dma_start3A_621 : memref<1x100xi32, #tpu.memory_space<vmem>> -> memref<100xi32, #tpu.memory_space<vmem>>
        %dma_start3A_623 = arith.constant 0 : i32
        %dma_start3A_624 = arith.constant 0 : i32
        %dma_start3A_625 = tpu.memref_slice %arg4[%dma_start3A_623, %dma_start3A_624] : memref<1048576x64xf32, #tpu.memory_space<hbm>> -> memref<1048576x64xf32, #tpu.memory_space<hbm>>
        %dma_start3A_626 = tpu.memref_slice %arg10[%dma_start3A_615] : memref<4x!tpu.dma_semaphore, #tpu.memory_space<semaphore_mem>> -> memref<1x!tpu.dma_semaphore, #tpu.memory_space<semaphore_mem>>
        %dma_start3A_627 = tpu.memref_squeeze %dma_start3A_626 : memref<1x!tpu.dma_semaphore, #tpu.memory_space<semaphore_mem>> -> memref<!tpu.dma_semaphore, #tpu.memory_space<semaphore_mem>>
        tpu.enqueue_indirect_dma source(%dma_start3A_625 : memref<1048576x64xf32, #tpu.memory_space<hbm>>) target(%dma_start3A_619 : memref<100x64xf32, #tpu.memory_space<vmem>>) offsets(%dma_start3A_622 : memref<100xi32, #tpu.memory_space<vmem>>) semaphore(%dma_start3A_627 : memref<!tpu.dma_semaphore, #tpu.memory_space<semaphore_mem>>) {add = true}
      } else {
      }
      %dma_wait3A_305 = arith.constant 0 : i32
      %dma_wait3A_306 = arith.constant 1 : i32
      %dma_wait3A_307 = arith.constant 1 : i32
      %dma_wait3A_308 = arith.constant 0 : i32
      %dma_wait3A_309 = arith.constant 0 : i32
      %dma_wait3A_310 = tpu.memref_slice %arg7[%dma_wait3A_306, %dma_wait3A_308, %dma_wait3A_309] : memref<4x100x64xf32, #tpu.memory_space<vmem>> -> memref<1x100x64xf32, #tpu.memory_space<vmem>>
      %dma_wait3A_311 = tpu.memref_squeeze %dma_wait3A_310 : memref<1x100x64xf32, #tpu.memory_space<vmem>> -> memref<100x64xf32, #tpu.memory_space<vmem>>
      %dma_wait3A_312 = arith.constant 0 : i32
      %dma_wait3A_313 = arith.constant 0 : i32
      %dma_wait3A_314 = tpu.memref_slice %arg5[%dma_wait3A_305, %dma_wait3A_312, %dma_wait3A_313] : memref<4096x200x128xf32, #tpu.memory_space<hbm>> -> memref<1x100x64xf32, #tpu.memory_space<hbm>>
      %dma_wait3A_315 = tpu.memref_squeeze %dma_wait3A_314 : memref<1x100x64xf32, #tpu.memory_space<hbm>> -> memref<100x64xf32, #tpu.memory_space<hbm>>
      %dma_wait3A_316 = tpu.memref_slice %arg10[%dma_wait3A_307] : memref<4x!tpu.dma_semaphore, #tpu.memory_space<semaphore_mem>> -> memref<1x!tpu.dma_semaphore, #tpu.memory_space<semaphore_mem>>
      %dma_wait3A_317 = tpu.memref_squeeze %dma_wait3A_316 : memref<1x!tpu.dma_semaphore, #tpu.memory_space<semaphore_mem>> -> memref<!tpu.dma_semaphore, #tpu.memory_space<semaphore_mem>>
      %dma_wait3A_318 = arith.constant 0 : i32
      %dma_wait3A_319 = arith.constant 0 : i32
      %dma_wait3A_320 = tpu.memref_slice %arg7[%dma_wait3A_306, %dma_wait3A_318, %dma_wait3A_319] : memref<4x100x64xf32, #tpu.memory_space<vmem>> -> memref<1x100x64xf32, #tpu.memory_space<vmem>>
      %dma_wait3A_321 = tpu.memref_squeeze %dma_wait3A_320 : memref<1x100x64xf32, #tpu.memory_space<vmem>> -> memref<100x64xf32, #tpu.memory_space<vmem>>
      %dma_wait3A_322 = arith.constant 0 : i32
      %dma_wait3A_323 = arith.constant 0 : i32
      %dma_wait3A_324 = tpu.memref_slice %arg5[%dma_wait3A_305, %dma_wait3A_322, %dma_wait3A_323] : memref<4096x200x128xf32, #tpu.memory_space<hbm>> -> memref<1x100x64xf32, #tpu.memory_space<hbm>>
      %dma_wait3A_325 = tpu.memref_squeeze %dma_wait3A_324 : memref<1x100x64xf32, #tpu.memory_space<hbm>> -> memref<100x64xf32, #tpu.memory_space<hbm>>
      tpu.wait_dma2 semaphore(%dma_wait3A_317 : memref<!tpu.dma_semaphore, #tpu.memory_space<semaphore_mem>>) src(%dma_wait3A_325 : memref<100x64xf32, #tpu.memory_space<hbm>>) dst(%dma_wait3A_321 : memref<100x64xf32, #tpu.memory_space<vmem>>)
      %add3A_326 = arith.addi %mul3A_2, %add3A_288 : i32
      %jit3A_327 = arith.constant 2 : i32
      %div3A_328 = arith.divsi %add3A_326, %jit3A_327 : i32
      %sign3A_329 = arith.constant 0 : i32
      %sign3A_330 = arith.cmpi sgt, %add3A_326, %sign3A_329 : i32
      %sign3A_331 = arith.extui %sign3A_330 : i1 to i32
      %sign3A_332 = arith.constant 0 : i32
      %sign3A_333 = arith.cmpi slt, %add3A_326, %sign3A_332 : i32
      %sign3A_334 = arith.extui %sign3A_333 : i1 to i32
      %sign3A_335 = arith.subi %sign3A_331, %sign3A_334 : i32
      %sign3A_336 = arith.constant 0 : i32
      %sign3A_337 = arith.cmpi sgt, %jit3A_327, %sign3A_336 : i32
      %sign3A_338 = arith.extui %sign3A_337 : i1 to i32
      %sign3A_339 = arith.constant 0 : i32
      %sign3A_340 = arith.cmpi slt, %jit3A_327, %sign3A_339 : i32
      %sign3A_341 = arith.extui %sign3A_340 : i1 to i32
      %sign3A_342 = arith.subi %sign3A_338, %sign3A_341 : i32
      %ne3A_343 = arith.cmpi ne, %sign3A_335, %sign3A_342 : i32
      %rem3A_344 = arith.remsi %add3A_326, %jit3A_327 : i32
      %ne3A_345 = arith.constant 0 : i32
      %ne3A_346 = arith.cmpi ne, %rem3A_344, %ne3A_345 : i32
      %and3A_347 = arith.andi %ne3A_343, %ne3A_346 : i1
      %sub3A_348 = arith.constant 1 : i32
      %sub3A_349 = arith.subi %div3A_328, %sub3A_348 : i32
      %select_n3A_350 = arith.select %and3A_347, %sub3A_349, %div3A_328 : i32
      %jit3A_351 = arith.constant 2 : i32
      %eq3A_352 = arith.constant 0 : i32
      %eq3A_353 = arith.cmpi eq, %jit3A_351, %eq3A_352 : i32
      %jit3A_354 = arith.constant 1 : i32
      %select_n3A_355 = arith.select %eq3A_353, %jit3A_354, %jit3A_351 : i32
      %rem3A_356 = arith.remsi %add3A_326, %select_n3A_355 : i32
      %ne3A_357 = arith.constant 0 : i32
      %ne3A_358 = arith.cmpi ne, %rem3A_356, %ne3A_357 : i32
      %lt3A_359 = arith.constant 0 : i32
      %lt3A_360 = arith.cmpi slt, %rem3A_356, %lt3A_359 : i32
      %lt3A_361 = arith.constant 0 : i32
      %lt3A_362 = arith.cmpi slt, %select_n3A_355, %lt3A_361 : i32
      %ne3A_363 = arith.xori %lt3A_360, %lt3A_362 : i1
      %and3A_364 = arith.andi %ne3A_363, %ne3A_358 : i1
      %add3A_365 = arith.addi %rem3A_356, %select_n3A_355 : i32
      %select_n3A_366 = arith.select %and3A_364, %add3A_365, %rem3A_356 : i32
      %mul3A_367 = arith.constant 100 : i32
      %mul3A_368 = arith.muli %select_n3A_366, %mul3A_367 : i32
      %dma_start3A_369 = arith.constant 1 : i32
      %dma_start3A_370 = arith.constant 1 : i32
      %dma_start3A_371 = arith.constant 0 : i32
      %dma_start3A_372 = arith.constant 0 : i32
      %dma_start3A_373 = tpu.memref_slice %arg7[%dma_start3A_369, %dma_start3A_371, %dma_start3A_372] : memref<4x100x64xf32, #tpu.memory_space<vmem>> -> memref<1x100x64xf32, #tpu.memory_space<vmem>>
      %dma_start3A_374 = tpu.memref_squeeze %dma_start3A_373 : memref<1x100x64xf32, #tpu.memory_space<vmem>> -> memref<100x64xf32, #tpu.memory_space<vmem>>
      %dma_start3A_375 = arith.constant 0 : i32
      %dma_start3A_376 = tpu.memref_slice %arg5[%select_n3A_350, %mul3A_368, %dma_start3A_375] : memref<4096x200x128xf32, #tpu.memory_space<hbm>> -> memref<1x100x64xf32, #tpu.memory_space<hbm>>
      %dma_start3A_377 = tpu.memref_squeeze %dma_start3A_376 : memref<1x100x64xf32, #tpu.memory_space<hbm>> -> memref<100x64xf32, #tpu.memory_space<hbm>>
      %dma_start3A_378 = tpu.memref_slice %arg11[%dma_start3A_370] : memref<4x!tpu.dma_semaphore, #tpu.memory_space<semaphore_mem>> -> memref<1x!tpu.dma_semaphore, #tpu.memory_space<semaphore_mem>>
      %dma_start3A_379 = tpu.memref_squeeze %dma_start3A_378 : memref<1x!tpu.dma_semaphore, #tpu.memory_space<semaphore_mem>> -> memref<!tpu.dma_semaphore, #tpu.memory_space<semaphore_mem>>
      %dma_start3A_380 = arith.constant 0 : i32
      %dma_start3A_381 = tpu.memref_slice %arg5[%select_n3A_350, %mul3A_368, %dma_start3A_380] : memref<4096x200x128xf32, #tpu.memory_space<hbm>> -> memref<1x100x64xf32, #tpu.memory_space<hbm>>
      %dma_start3A_382 = tpu.memref_squeeze %dma_start3A_381 : memref<1x100x64xf32, #tpu.memory_space<hbm>> -> memref<100x64xf32, #tpu.memory_space<hbm>>
      %dma_start3A_383 = arith.constant 0 : i32
      %dma_start3A_384 = arith.constant 0 : i32
      %dma_start3A_385 = tpu.memref_slice %arg7[%dma_start3A_369, %dma_start3A_383, %dma_start3A_384] : memref<4x100x64xf32, #tpu.memory_space<vmem>> -> memref<1x100x64xf32, #tpu.memory_space<vmem>>
      %dma_start3A_386 = tpu.memref_squeeze %dma_start3A_385 : memref<1x100x64xf32, #tpu.memory_space<vmem>> -> memref<100x64xf32, #tpu.memory_space<vmem>>
      tpu.enqueue_dma source(%dma_start3A_386 : memref<100x64xf32, #tpu.memory_space<vmem>>) target(%dma_start3A_382 : memref<100x64xf32, #tpu.memory_space<hbm>>) target_semaphore(%dma_start3A_379 : memref<!tpu.dma_semaphore, #tpu.memory_space<semaphore_mem>>)
      %mul3A_387 = arith.constant 4 : i32
      %mul3A_388 = arith.muli %scan3A_191, %mul3A_387 : i32
      %add3A_389 = arith.constant 2 : i32
      %add3A_390 = arith.addi %mul3A_388, %add3A_389 : i32
      %add3A_391 = arith.constant 4 : i32
      %add3A_392 = arith.addi %add3A_390, %add3A_391 : i32
      %sub3A_393 = arith.constant 1 : i32
      %sub3A_394 = arith.subi %add3A_392, %sub3A_393 : i32
      %lt3A_395 = arith.constant 256 : i32
      %lt3A_396 = arith.cmpi slt, %sub3A_394, %lt3A_395 : i32
      %convert_element_type3A_397 = arith.extui %lt3A_396 : i1 to i32
      %cond3A_398 = arith.constant 0 : i32
      %cond3A_399 = arith.cmpi ne, %convert_element_type3A_397, %cond3A_398 : i32
      scf.if %cond3A_399 {
        %ge3A = arith.constant 1 : i32
        %ge3A_591 = arith.cmpi sge, %add3A_390, %ge3A : i32
        %convert_element_type3A_592 = arith.extui %ge3A_591 : i1 to i32
        %cond3A_593 = arith.constant 0 : i32
        %cond3A_594 = arith.cmpi ne, %convert_element_type3A_592, %cond3A_593 : i32
        scf.if %cond3A_594 {
          %dma_wait3A_616 = arith.constant 0 : i32
          %dma_wait3A_617 = arith.constant 1 : i32
          %dma_wait3A_618 = arith.constant 1 : i32
          %dma_wait3A_619 = arith.constant 0 : i32
          %dma_wait3A_620 = arith.constant 0 : i32
          %dma_wait3A_621 = tpu.memref_slice %arg7[%dma_wait3A_617, %dma_wait3A_619, %dma_wait3A_620] : memref<4x100x64xf32, #tpu.memory_space<vmem>> -> memref<1x100x64xf32, #tpu.memory_space<vmem>>
          %dma_wait3A_622 = tpu.memref_squeeze %dma_wait3A_621 : memref<1x100x64xf32, #tpu.memory_space<vmem>> -> memref<100x64xf32, #tpu.memory_space<vmem>>
          %dma_wait3A_623 = arith.constant 0 : i32
          %dma_wait3A_624 = arith.constant 0 : i32
          %dma_wait3A_625 = tpu.memref_slice %arg5[%dma_wait3A_616, %dma_wait3A_623, %dma_wait3A_624] : memref<4096x200x128xf32, #tpu.memory_space<hbm>> -> memref<1x100x64xf32, #tpu.memory_space<hbm>>
          %dma_wait3A_626 = tpu.memref_squeeze %dma_wait3A_625 : memref<1x100x64xf32, #tpu.memory_space<hbm>> -> memref<100x64xf32, #tpu.memory_space<hbm>>
          %dma_wait3A_627 = tpu.memref_slice %arg11[%dma_wait3A_618] : memref<4x!tpu.dma_semaphore, #tpu.memory_space<semaphore_mem>> -> memref<1x!tpu.dma_semaphore, #tpu.memory_space<semaphore_mem>>
          %dma_wait3A_628 = tpu.memref_squeeze %dma_wait3A_627 : memref<1x!tpu.dma_semaphore, #tpu.memory_space<semaphore_mem>> -> memref<!tpu.dma_semaphore, #tpu.memory_space<semaphore_mem>>
          %dma_wait3A_629 = arith.constant 0 : i32
          %dma_wait3A_630 = arith.constant 0 : i32
          %dma_wait3A_631 = tpu.memref_slice %arg7[%dma_wait3A_617, %dma_wait3A_629, %dma_wait3A_630] : memref<4x100x64xf32, #tpu.memory_space<vmem>> -> memref<1x100x64xf32, #tpu.memory_space<vmem>>
          %dma_wait3A_632 = tpu.memref_squeeze %dma_wait3A_631 : memref<1x100x64xf32, #tpu.memory_space<vmem>> -> memref<100x64xf32, #tpu.memory_space<vmem>>
          %dma_wait3A_633 = arith.constant 0 : i32
          %dma_wait3A_634 = arith.constant 0 : i32
          %dma_wait3A_635 = tpu.memref_slice %arg5[%dma_wait3A_616, %dma_wait3A_633, %dma_wait3A_634] : memref<4096x200x128xf32, #tpu.memory_space<hbm>> -> memref<1x100x64xf32, #tpu.memory_space<hbm>>
          %dma_wait3A_636 = tpu.memref_squeeze %dma_wait3A_635 : memref<1x100x64xf32, #tpu.memory_space<hbm>> -> memref<100x64xf32, #tpu.memory_space<hbm>>
          tpu.wait_dma2 semaphore(%dma_wait3A_628 : memref<!tpu.dma_semaphore, #tpu.memory_space<semaphore_mem>>) src(%dma_wait3A_636 : memref<100x64xf32, #tpu.memory_space<hbm>>) dst(%dma_wait3A_632 : memref<100x64xf32, #tpu.memory_space<vmem>>)
        } else {
        }
        %dma_start3A_595 = arith.constant 1 : i32
        %dma_start3A_596 = arith.constant 1 : i32
        %dma_start3A_597 = arith.constant 1 : i32
        %dma_start3A_598 = arith.constant 0 : i32
        %dma_start3A_599 = arith.constant 0 : i32
        %dma_start3A_600 = tpu.memref_slice %arg7[%dma_start3A_596, %dma_start3A_598, %dma_start3A_599] : memref<4x100x64xf32, #tpu.memory_space<vmem>> -> memref<1x100x64xf32, #tpu.memory_space<vmem>>
        %dma_start3A_601 = tpu.memref_squeeze %dma_start3A_600 : memref<1x100x64xf32, #tpu.memory_space<vmem>> -> memref<100x64xf32, #tpu.memory_space<vmem>>
        %dma_start3A_602 = arith.constant 0 : i32
        %dma_start3A_603 = arith.constant 0 : i32
        %dma_start3A_604 = tpu.memref_slice %arg8[%dma_start3A_595, %dma_start3A_602, %dma_start3A_603] : memref<2x100x64xf32, #tpu.memory_space<vmem_shared>> -> memref<1x100x64xf32, #tpu.memory_space<vmem_shared>>
        %dma_start3A_605 = tpu.memref_squeeze %dma_start3A_604 : memref<1x100x64xf32, #tpu.memory_space<vmem_shared>> -> memref<100x64xf32, #tpu.memory_space<vmem_shared>>
        %dma_start3A_606 = tpu.memref_slice %arg9[%dma_start3A_597] : memref<4x!tpu.dma_semaphore, #tpu.memory_space<semaphore_mem>> -> memref<1x!tpu.dma_semaphore, #tpu.memory_space<semaphore_mem>>
        %dma_start3A_607 = tpu.memref_squeeze %dma_start3A_606 : memref<1x!tpu.dma_semaphore, #tpu.memory_space<semaphore_mem>> -> memref<!tpu.dma_semaphore, #tpu.memory_space<semaphore_mem>>
        %dma_start3A_608 = arith.constant 0 : i32
        %dma_start3A_609 = arith.constant 0 : i32
        %dma_start3A_610 = tpu.memref_slice %arg7[%dma_start3A_596, %dma_start3A_608, %dma_start3A_609] : memref<4x100x64xf32, #tpu.memory_space<vmem>> -> memref<1x100x64xf32, #tpu.memory_space<vmem>>
        %dma_start3A_611 = tpu.memref_squeeze %dma_start3A_610 : memref<1x100x64xf32, #tpu.memory_space<vmem>> -> memref<100x64xf32, #tpu.memory_space<vmem>>
        %dma_start3A_612 = arith.constant 0 : i32
        %dma_start3A_613 = arith.constant 0 : i32
        %dma_start3A_614 = tpu.memref_slice %arg8[%dma_start3A_595, %dma_start3A_612, %dma_start3A_613] : memref<2x100x64xf32, #tpu.memory_space<vmem_shared>> -> memref<1x100x64xf32, #tpu.memory_space<vmem_shared>>
        %dma_start3A_615 = tpu.memref_squeeze %dma_start3A_614 : memref<1x100x64xf32, #tpu.memory_space<vmem_shared>> -> memref<100x64xf32, #tpu.memory_space<vmem_shared>>
        tpu.enqueue_dma source(%dma_start3A_615 : memref<100x64xf32, #tpu.memory_space<vmem_shared>>) target(%dma_start3A_611 : memref<100x64xf32, #tpu.memory_space<vmem>>) target_semaphore(%dma_start3A_607 : memref<!tpu.dma_semaphore, #tpu.memory_space<semaphore_mem>>)
      } else {
      }
      %add3A_400 = arith.constant 1 : i32
      %add3A_401 = arith.addi %add3A_390, %add3A_400 : i32
      %lt3A_402 = arith.constant 256 : i32
      %lt3A_403 = arith.cmpi slt, %add3A_401, %lt3A_402 : i32
      %convert_element_type3A_404 = arith.extui %lt3A_403 : i1 to i32
      %cond3A_405 = arith.constant 0 : i32
      %cond3A_406 = arith.cmpi ne, %convert_element_type3A_404, %cond3A_405 : i32
      scf.if %cond3A_406 {
        %dma_wait3A_591 = arith.constant 0 : i32
        %dma_wait3A_592 = arith.constant 3 : i32
        %dma_wait3A_593 = arith.constant 3 : i32
        %dma_wait3A_594 = arith.constant 0 : i32
        %dma_wait3A_595 = arith.constant 0 : i32
        %dma_wait3A_596 = tpu.memref_slice %arg7[%dma_wait3A_592, %dma_wait3A_594, %dma_wait3A_595] : memref<4x100x64xf32, #tpu.memory_space<vmem>> -> memref<1x100x64xf32, #tpu.memory_space<vmem>>
        %dma_wait3A_597 = tpu.memref_squeeze %dma_wait3A_596 : memref<1x100x64xf32, #tpu.memory_space<vmem>> -> memref<100x64xf32, #tpu.memory_space<vmem>>
        %dma_wait3A_598 = arith.constant 0 : i32
        %dma_wait3A_599 = arith.constant 0 : i32
        %dma_wait3A_600 = tpu.memref_slice %arg5[%dma_wait3A_591, %dma_wait3A_598, %dma_wait3A_599] : memref<4096x200x128xf32, #tpu.memory_space<hbm>> -> memref<1x100x64xf32, #tpu.memory_space<hbm>>
        %dma_wait3A_601 = tpu.memref_squeeze %dma_wait3A_600 : memref<1x100x64xf32, #tpu.memory_space<hbm>> -> memref<100x64xf32, #tpu.memory_space<hbm>>
        %dma_wait3A_602 = tpu.memref_slice %arg9[%dma_wait3A_593] : memref<4x!tpu.dma_semaphore, #tpu.memory_space<semaphore_mem>> -> memref<1x!tpu.dma_semaphore, #tpu.memory_space<semaphore_mem>>
        %dma_wait3A_603 = tpu.memref_squeeze %dma_wait3A_602 : memref<1x!tpu.dma_semaphore, #tpu.memory_space<semaphore_mem>> -> memref<!tpu.dma_semaphore, #tpu.memory_space<semaphore_mem>>
        %dma_wait3A_604 = arith.constant 0 : i32
        %dma_wait3A_605 = arith.constant 0 : i32
        %dma_wait3A_606 = tpu.memref_slice %arg7[%dma_wait3A_592, %dma_wait3A_604, %dma_wait3A_605] : memref<4x100x64xf32, #tpu.memory_space<vmem>> -> memref<1x100x64xf32, #tpu.memory_space<vmem>>
        %dma_wait3A_607 = tpu.memref_squeeze %dma_wait3A_606 : memref<1x100x64xf32, #tpu.memory_space<vmem>> -> memref<100x64xf32, #tpu.memory_space<vmem>>
        %dma_wait3A_608 = arith.constant 0 : i32
        %dma_wait3A_609 = arith.constant 0 : i32
        %dma_wait3A_610 = tpu.memref_slice %arg5[%dma_wait3A_591, %dma_wait3A_608, %dma_wait3A_609] : memref<4096x200x128xf32, #tpu.memory_space<hbm>> -> memref<1x100x64xf32, #tpu.memory_space<hbm>>
        %dma_wait3A_611 = tpu.memref_squeeze %dma_wait3A_610 : memref<1x100x64xf32, #tpu.memory_space<hbm>> -> memref<100x64xf32, #tpu.memory_space<hbm>>
        tpu.wait_dma2 semaphore(%dma_wait3A_603 : memref<!tpu.dma_semaphore, #tpu.memory_space<semaphore_mem>>) src(%dma_wait3A_611 : memref<100x64xf32, #tpu.memory_space<hbm>>) dst(%dma_wait3A_607 : memref<100x64xf32, #tpu.memory_space<vmem>>)
        %add3A_612 = arith.constant 1 : i32
        %add3A_613 = arith.addi %add3A_390, %add3A_612 : i32
        %dma_start3A_614 = arith.constant 3 : i32
        %dma_start3A_615 = arith.constant 3 : i32
        %dma_start3A_616 = arith.constant 0 : i32
        %dma_start3A_617 = arith.constant 0 : i32
        %dma_start3A_618 = tpu.memref_slice %arg7[%dma_start3A_614, %dma_start3A_616, %dma_start3A_617] : memref<4x100x64xf32, #tpu.memory_space<vmem>> -> memref<1x100x64xf32, #tpu.memory_space<vmem>>
        %dma_start3A_619 = tpu.memref_squeeze %dma_start3A_618 : memref<1x100x64xf32, #tpu.memory_space<vmem>> -> memref<100x64xf32, #tpu.memory_space<vmem>>
        %dma_start3A_620 = arith.constant 0 : i32
        %dma_start3A_621 = tpu.memref_slice %arg6[%add3A_613, %dma_start3A_620] : memref<256x100xi32, #tpu.memory_space<vmem>> -> memref<1x100xi32, #tpu.memory_space<vmem>>
        %dma_start3A_622 = tpu.memref_squeeze %dma_start3A_621 : memref<1x100xi32, #tpu.memory_space<vmem>> -> memref<100xi32, #tpu.memory_space<vmem>>
        %dma_start3A_623 = arith.constant 0 : i32
        %dma_start3A_624 = arith.constant 0 : i32
        %dma_start3A_625 = tpu.memref_slice %arg4[%dma_start3A_623, %dma_start3A_624] : memref<1048576x64xf32, #tpu.memory_space<hbm>> -> memref<1048576x64xf32, #tpu.memory_space<hbm>>
        %dma_start3A_626 = tpu.memref_slice %arg10[%dma_start3A_615] : memref<4x!tpu.dma_semaphore, #tpu.memory_space<semaphore_mem>> -> memref<1x!tpu.dma_semaphore, #tpu.memory_space<semaphore_mem>>
        %dma_start3A_627 = tpu.memref_squeeze %dma_start3A_626 : memref<1x!tpu.dma_semaphore, #tpu.memory_space<semaphore_mem>> -> memref<!tpu.dma_semaphore, #tpu.memory_space<semaphore_mem>>
        tpu.enqueue_indirect_dma source(%dma_start3A_625 : memref<1048576x64xf32, #tpu.memory_space<hbm>>) target(%dma_start3A_619 : memref<100x64xf32, #tpu.memory_space<vmem>>) offsets(%dma_start3A_622 : memref<100xi32, #tpu.memory_space<vmem>>) semaphore(%dma_start3A_627 : memref<!tpu.dma_semaphore, #tpu.memory_space<semaphore_mem>>) {add = true}
      } else {
      }
      %dma_wait3A_407 = arith.constant 0 : i32
      %dma_wait3A_408 = arith.constant 2 : i32
      %dma_wait3A_409 = arith.constant 2 : i32
      %dma_wait3A_410 = arith.constant 0 : i32
      %dma_wait3A_411 = arith.constant 0 : i32
      %dma_wait3A_412 = tpu.memref_slice %arg7[%dma_wait3A_408, %dma_wait3A_410, %dma_wait3A_411] : memref<4x100x64xf32, #tpu.memory_space<vmem>> -> memref<1x100x64xf32, #tpu.memory_space<vmem>>
      %dma_wait3A_413 = tpu.memref_squeeze %dma_wait3A_412 : memref<1x100x64xf32, #tpu.memory_space<vmem>> -> memref<100x64xf32, #tpu.memory_space<vmem>>
      %dma_wait3A_414 = arith.constant 0 : i32
      %dma_wait3A_415 = arith.constant 0 : i32
      %dma_wait3A_416 = tpu.memref_slice %arg5[%dma_wait3A_407, %dma_wait3A_414, %dma_wait3A_415] : memref<4096x200x128xf32, #tpu.memory_space<hbm>> -> memref<1x100x64xf32, #tpu.memory_space<hbm>>
      %dma_wait3A_417 = tpu.memref_squeeze %dma_wait3A_416 : memref<1x100x64xf32, #tpu.memory_space<hbm>> -> memref<100x64xf32, #tpu.memory_space<hbm>>
      %dma_wait3A_418 = tpu.memref_slice %arg10[%dma_wait3A_409] : memref<4x!tpu.dma_semaphore, #tpu.memory_space<semaphore_mem>> -> memref<1x!tpu.dma_semaphore, #tpu.memory_space<semaphore_mem>>
      %dma_wait3A_419 = tpu.memref_squeeze %dma_wait3A_418 : memref<1x!tpu.dma_semaphore, #tpu.memory_space<semaphore_mem>> -> memref<!tpu.dma_semaphore, #tpu.memory_space<semaphore_mem>>
      %dma_wait3A_420 = arith.constant 0 : i32
      %dma_wait3A_421 = arith.constant 0 : i32
      %dma_wait3A_422 = tpu.memref_slice %arg7[%dma_wait3A_408, %dma_wait3A_420, %dma_wait3A_421] : memref<4x100x64xf32, #tpu.memory_space<vmem>> -> memref<1x100x64xf32, #tpu.memory_space<vmem>>
      %dma_wait3A_423 = tpu.memref_squeeze %dma_wait3A_422 : memref<1x100x64xf32, #tpu.memory_space<vmem>> -> memref<100x64xf32, #tpu.memory_space<vmem>>
      %dma_wait3A_424 = arith.constant 0 : i32
      %dma_wait3A_425 = arith.constant 0 : i32
      %dma_wait3A_426 = tpu.memref_slice %arg5[%dma_wait3A_407, %dma_wait3A_424, %dma_wait3A_425] : memref<4096x200x128xf32, #tpu.memory_space<hbm>> -> memref<1x100x64xf32, #tpu.memory_space<hbm>>
      %dma_wait3A_427 = tpu.memref_squeeze %dma_wait3A_426 : memref<1x100x64xf32, #tpu.memory_space<hbm>> -> memref<100x64xf32, #tpu.memory_space<hbm>>
      tpu.wait_dma2 semaphore(%dma_wait3A_419 : memref<!tpu.dma_semaphore, #tpu.memory_space<semaphore_mem>>) src(%dma_wait3A_427 : memref<100x64xf32, #tpu.memory_space<hbm>>) dst(%dma_wait3A_423 : memref<100x64xf32, #tpu.memory_space<vmem>>)
      %add3A_428 = arith.addi %mul3A_2, %add3A_390 : i32
      %jit3A_429 = arith.constant 2 : i32
      %div3A_430 = arith.divsi %add3A_428, %jit3A_429 : i32
      %sign3A_431 = arith.constant 0 : i32
      %sign3A_432 = arith.cmpi sgt, %add3A_428, %sign3A_431 : i32
      %sign3A_433 = arith.extui %sign3A_432 : i1 to i32
      %sign3A_434 = arith.constant 0 : i32
      %sign3A_435 = arith.cmpi slt, %add3A_428, %sign3A_434 : i32
      %sign3A_436 = arith.extui %sign3A_435 : i1 to i32
      %sign3A_437 = arith.subi %sign3A_433, %sign3A_436 : i32
      %sign3A_438 = arith.constant 0 : i32
      %sign3A_439 = arith.cmpi sgt, %jit3A_429, %sign3A_438 : i32
      %sign3A_440 = arith.extui %sign3A_439 : i1 to i32
      %sign3A_441 = arith.constant 0 : i32
      %sign3A_442 = arith.cmpi slt, %jit3A_429, %sign3A_441 : i32
      %sign3A_443 = arith.extui %sign3A_442 : i1 to i32
      %sign3A_444 = arith.subi %sign3A_440, %sign3A_443 : i32
      %ne3A_445 = arith.cmpi ne, %sign3A_437, %sign3A_444 : i32
      %rem3A_446 = arith.remsi %add3A_428, %jit3A_429 : i32
      %ne3A_447 = arith.constant 0 : i32
      %ne3A_448 = arith.cmpi ne, %rem3A_446, %ne3A_447 : i32
      %and3A_449 = arith.andi %ne3A_445, %ne3A_448 : i1
      %sub3A_450 = arith.constant 1 : i32
      %sub3A_451 = arith.subi %div3A_430, %sub3A_450 : i32
      %select_n3A_452 = arith.select %and3A_449, %sub3A_451, %div3A_430 : i32
      %jit3A_453 = arith.constant 2 : i32
      %eq3A_454 = arith.constant 0 : i32
      %eq3A_455 = arith.cmpi eq, %jit3A_453, %eq3A_454 : i32
      %jit3A_456 = arith.constant 1 : i32
      %select_n3A_457 = arith.select %eq3A_455, %jit3A_456, %jit3A_453 : i32
      %rem3A_458 = arith.remsi %add3A_428, %select_n3A_457 : i32
      %ne3A_459 = arith.constant 0 : i32
      %ne3A_460 = arith.cmpi ne, %rem3A_458, %ne3A_459 : i32
      %lt3A_461 = arith.constant 0 : i32
      %lt3A_462 = arith.cmpi slt, %rem3A_458, %lt3A_461 : i32
      %lt3A_463 = arith.constant 0 : i32
      %lt3A_464 = arith.cmpi slt, %select_n3A_457, %lt3A_463 : i32
      %ne3A_465 = arith.xori %lt3A_462, %lt3A_464 : i1
      %and3A_466 = arith.andi %ne3A_465, %ne3A_460 : i1
      %add3A_467 = arith.addi %rem3A_458, %select_n3A_457 : i32
      %select_n3A_468 = arith.select %and3A_466, %add3A_467, %rem3A_458 : i32
      %mul3A_469 = arith.constant 100 : i32
      %mul3A_470 = arith.muli %select_n3A_468, %mul3A_469 : i32
      %dma_start3A_471 = arith.constant 2 : i32
      %dma_start3A_472 = arith.constant 2 : i32
      %dma_start3A_473 = arith.constant 0 : i32
      %dma_start3A_474 = arith.constant 0 : i32
      %dma_start3A_475 = tpu.memref_slice %arg7[%dma_start3A_471, %dma_start3A_473, %dma_start3A_474] : memref<4x100x64xf32, #tpu.memory_space<vmem>> -> memref<1x100x64xf32, #tpu.memory_space<vmem>>
      %dma_start3A_476 = tpu.memref_squeeze %dma_start3A_475 : memref<1x100x64xf32, #tpu.memory_space<vmem>> -> memref<100x64xf32, #tpu.memory_space<vmem>>
      %dma_start3A_477 = arith.constant 0 : i32
      %dma_start3A_478 = tpu.memref_slice %arg5[%select_n3A_452, %mul3A_470, %dma_start3A_477] : memref<4096x200x128xf32, #tpu.memory_space<hbm>> -> memref<1x100x64xf32, #tpu.memory_space<hbm>>
      %dma_start3A_479 = tpu.memref_squeeze %dma_start3A_478 : memref<1x100x64xf32, #tpu.memory_space<hbm>> -> memref<100x64xf32, #tpu.memory_space<hbm>>
      %dma_start3A_480 = tpu.memref_slice %arg11[%dma_start3A_472] : memref<4x!tpu.dma_semaphore, #tpu.memory_space<semaphore_mem>> -> memref<1x!tpu.dma_semaphore, #tpu.memory_space<semaphore_mem>>
      %dma_start3A_481 = tpu.memref_squeeze %dma_start3A_480 : memref<1x!tpu.dma_semaphore, #tpu.memory_space<semaphore_mem>> -> memref<!tpu.dma_semaphore, #tpu.memory_space<semaphore_mem>>
      %dma_start3A_482 = arith.constant 0 : i32
      %dma_start3A_483 = tpu.memref_slice %arg5[%select_n3A_452, %mul3A_470, %dma_start3A_482] : memref<4096x200x128xf32, #tpu.memory_space<hbm>> -> memref<1x100x64xf32, #tpu.memory_space<hbm>>
      %dma_start3A_484 = tpu.memref_squeeze %dma_start3A_483 : memref<1x100x64xf32, #tpu.memory_space<hbm>> -> memref<100x64xf32, #tpu.memory_space<hbm>>
      %dma_start3A_485 = arith.constant 0 : i32
      %dma_start3A_486 = arith.constant 0 : i32
      %dma_start3A_487 = tpu.memref_slice %arg7[%dma_start3A_471, %dma_start3A_485, %dma_start3A_486] : memref<4x100x64xf32, #tpu.memory_space<vmem>> -> memref<1x100x64xf32, #tpu.memory_space<vmem>>
      %dma_start3A_488 = tpu.memref_squeeze %dma_start3A_487 : memref<1x100x64xf32, #tpu.memory_space<vmem>> -> memref<100x64xf32, #tpu.memory_space<vmem>>
      tpu.enqueue_dma source(%dma_start3A_488 : memref<100x64xf32, #tpu.memory_space<vmem>>) target(%dma_start3A_484 : memref<100x64xf32, #tpu.memory_space<hbm>>) target_semaphore(%dma_start3A_481 : memref<!tpu.dma_semaphore, #tpu.memory_space<semaphore_mem>>)
      %mul3A_489 = arith.constant 4 : i32
      %mul3A_490 = arith.muli %scan3A_191, %mul3A_489 : i32
      %add3A_491 = arith.constant 3 : i32
      %add3A_492 = arith.addi %mul3A_490, %add3A_491 : i32
      %add3A_493 = arith.constant 4 : i32
      %add3A_494 = arith.addi %add3A_492, %add3A_493 : i32
      %sub3A_495 = arith.constant 1 : i32
      %sub3A_496 = arith.subi %add3A_494, %sub3A_495 : i32
      %lt3A_497 = arith.constant 256 : i32
      %lt3A_498 = arith.cmpi slt, %sub3A_496, %lt3A_497 : i32
      %convert_element_type3A_499 = arith.extui %lt3A_498 : i1 to i32
      %cond3A_500 = arith.constant 0 : i32
      %cond3A_501 = arith.cmpi ne, %convert_element_type3A_499, %cond3A_500 : i32
      scf.if %cond3A_501 {
        %ge3A = arith.constant 1 : i32
        %ge3A_591 = arith.cmpi sge, %add3A_492, %ge3A : i32
        %convert_element_type3A_592 = arith.extui %ge3A_591 : i1 to i32
        %cond3A_593 = arith.constant 0 : i32
        %cond3A_594 = arith.cmpi ne, %convert_element_type3A_592, %cond3A_593 : i32
        scf.if %cond3A_594 {
          %dma_wait3A_616 = arith.constant 0 : i32
          %dma_wait3A_617 = arith.constant 2 : i32
          %dma_wait3A_618 = arith.constant 2 : i32
          %dma_wait3A_619 = arith.constant 0 : i32
          %dma_wait3A_620 = arith.constant 0 : i32
          %dma_wait3A_621 = tpu.memref_slice %arg7[%dma_wait3A_617, %dma_wait3A_619, %dma_wait3A_620] : memref<4x100x64xf32, #tpu.memory_space<vmem>> -> memref<1x100x64xf32, #tpu.memory_space<vmem>>
          %dma_wait3A_622 = tpu.memref_squeeze %dma_wait3A_621 : memref<1x100x64xf32, #tpu.memory_space<vmem>> -> memref<100x64xf32, #tpu.memory_space<vmem>>
          %dma_wait3A_623 = arith.constant 0 : i32
          %dma_wait3A_624 = arith.constant 0 : i32
          %dma_wait3A_625 = tpu.memref_slice %arg5[%dma_wait3A_616, %dma_wait3A_623, %dma_wait3A_624] : memref<4096x200x128xf32, #tpu.memory_space<hbm>> -> memref<1x100x64xf32, #tpu.memory_space<hbm>>
          %dma_wait3A_626 = tpu.memref_squeeze %dma_wait3A_625 : memref<1x100x64xf32, #tpu.memory_space<hbm>> -> memref<100x64xf32, #tpu.memory_space<hbm>>
          %dma_wait3A_627 = tpu.memref_slice %arg11[%dma_wait3A_618] : memref<4x!tpu.dma_semaphore, #tpu.memory_space<semaphore_mem>> -> memref<1x!tpu.dma_semaphore, #tpu.memory_space<semaphore_mem>>
          %dma_wait3A_628 = tpu.memref_squeeze %dma_wait3A_627 : memref<1x!tpu.dma_semaphore, #tpu.memory_space<semaphore_mem>> -> memref<!tpu.dma_semaphore, #tpu.memory_space<semaphore_mem>>
          %dma_wait3A_629 = arith.constant 0 : i32
          %dma_wait3A_630 = arith.constant 0 : i32
          %dma_wait3A_631 = tpu.memref_slice %arg7[%dma_wait3A_617, %dma_wait3A_629, %dma_wait3A_630] : memref<4x100x64xf32, #tpu.memory_space<vmem>> -> memref<1x100x64xf32, #tpu.memory_space<vmem>>
          %dma_wait3A_632 = tpu.memref_squeeze %dma_wait3A_631 : memref<1x100x64xf32, #tpu.memory_space<vmem>> -> memref<100x64xf32, #tpu.memory_space<vmem>>
          %dma_wait3A_633 = arith.constant 0 : i32
          %dma_wait3A_634 = arith.constant 0 : i32
          %dma_wait3A_635 = tpu.memref_slice %arg5[%dma_wait3A_616, %dma_wait3A_633, %dma_wait3A_634] : memref<4096x200x128xf32, #tpu.memory_space<hbm>> -> memref<1x100x64xf32, #tpu.memory_space<hbm>>
          %dma_wait3A_636 = tpu.memref_squeeze %dma_wait3A_635 : memref<1x100x64xf32, #tpu.memory_space<hbm>> -> memref<100x64xf32, #tpu.memory_space<hbm>>
          tpu.wait_dma2 semaphore(%dma_wait3A_628 : memref<!tpu.dma_semaphore, #tpu.memory_space<semaphore_mem>>) src(%dma_wait3A_636 : memref<100x64xf32, #tpu.memory_space<hbm>>) dst(%dma_wait3A_632 : memref<100x64xf32, #tpu.memory_space<vmem>>)
        } else {
        }
        %dma_start3A_595 = arith.constant 0 : i32
        %dma_start3A_596 = arith.constant 2 : i32
        %dma_start3A_597 = arith.constant 2 : i32
        %dma_start3A_598 = arith.constant 0 : i32
        %dma_start3A_599 = arith.constant 0 : i32
        %dma_start3A_600 = tpu.memref_slice %arg7[%dma_start3A_596, %dma_start3A_598, %dma_start3A_599] : memref<4x100x64xf32, #tpu.memory_space<vmem>> -> memref<1x100x64xf32, #tpu.memory_space<vmem>>
        %dma_start3A_601 = tpu.memref_squeeze %dma_start3A_600 : memref<1x100x64xf32, #tpu.memory_space<vmem>> -> memref<100x64xf32, #tpu.memory_space<vmem>>
        %dma_start3A_602 = arith.constant 0 : i32
        %dma_start3A_603 = arith.constant 0 : i32
        %dma_start3A_604 = tpu.memref_slice %arg8[%dma_start3A_595, %dma_start3A_602, %dma_start3A_603] : memref<2x100x64xf32, #tpu.memory_space<vmem_shared>> -> memref<1x100x64xf32, #tpu.memory_space<vmem_shared>>
        %dma_start3A_605 = tpu.memref_squeeze %dma_start3A_604 : memref<1x100x64xf32, #tpu.memory_space<vmem_shared>> -> memref<100x64xf32, #tpu.memory_space<vmem_shared>>
        %dma_start3A_606 = tpu.memref_slice %arg9[%dma_start3A_597] : memref<4x!tpu.dma_semaphore, #tpu.memory_space<semaphore_mem>> -> memref<1x!tpu.dma_semaphore, #tpu.memory_space<semaphore_mem>>
        %dma_start3A_607 = tpu.memref_squeeze %dma_start3A_606 : memref<1x!tpu.dma_semaphore, #tpu.memory_space<semaphore_mem>> -> memref<!tpu.dma_semaphore, #tpu.memory_space<semaphore_mem>>
        %dma_start3A_608 = arith.constant 0 : i32
        %dma_start3A_609 = arith.constant 0 : i32
        %dma_start3A_610 = tpu.memref_slice %arg7[%dma_start3A_596, %dma_start3A_608, %dma_start3A_609] : memref<4x100x64xf32, #tpu.memory_space<vmem>> -> memref<1x100x64xf32, #tpu.memory_space<vmem>>
        %dma_start3A_611 = tpu.memref_squeeze %dma_start3A_610 : memref<1x100x64xf32, #tpu.memory_space<vmem>> -> memref<100x64xf32, #tpu.memory_space<vmem>>
        %dma_start3A_612 = arith.constant 0 : i32
        %dma_start3A_613 = arith.constant 0 : i32
        %dma_start3A_614 = tpu.memref_slice %arg8[%dma_start3A_595, %dma_start3A_612, %dma_start3A_613] : memref<2x100x64xf32, #tpu.memory_space<vmem_shared>> -> memref<1x100x64xf32, #tpu.memory_space<vmem_shared>>
        %dma_start3A_615 = tpu.memref_squeeze %dma_start3A_614 : memref<1x100x64xf32, #tpu.memory_space<vmem_shared>> -> memref<100x64xf32, #tpu.memory_space<vmem_shared>>
        tpu.enqueue_dma source(%dma_start3A_615 : memref<100x64xf32, #tpu.memory_space<vmem_shared>>) target(%dma_start3A_611 : memref<100x64xf32, #tpu.memory_space<vmem>>) target_semaphore(%dma_start3A_607 : memref<!tpu.dma_semaphore, #tpu.memory_space<semaphore_mem>>)
      } else {
      }
      %add3A_502 = arith.constant 1 : i32
      %add3A_503 = arith.addi %add3A_492, %add3A_502 : i32
      %lt3A_504 = arith.constant 256 : i32
      %lt3A_505 = arith.cmpi slt, %add3A_503, %lt3A_504 : i32
      %convert_element_type3A_506 = arith.extui %lt3A_505 : i1 to i32
      %cond3A_507 = arith.constant 0 : i32
      %cond3A_508 = arith.cmpi ne, %convert_element_type3A_506, %cond3A_507 : i32
      scf.if %cond3A_508 {
        %dma_wait3A_591 = arith.constant 0 : i32
        %dma_wait3A_592 = arith.constant 0 : i32
        %dma_wait3A_593 = arith.constant 0 : i32
        %dma_wait3A_594 = arith.constant 0 : i32
        %dma_wait3A_595 = arith.constant 0 : i32
        %dma_wait3A_596 = tpu.memref_slice %arg7[%dma_wait3A_592, %dma_wait3A_594, %dma_wait3A_595] : memref<4x100x64xf32, #tpu.memory_space<vmem>> -> memref<1x100x64xf32, #tpu.memory_space<vmem>>
        %dma_wait3A_597 = tpu.memref_squeeze %dma_wait3A_596 : memref<1x100x64xf32, #tpu.memory_space<vmem>> -> memref<100x64xf32, #tpu.memory_space<vmem>>
        %dma_wait3A_598 = arith.constant 0 : i32
        %dma_wait3A_599 = arith.constant 0 : i32
        %dma_wait3A_600 = tpu.memref_slice %arg5[%dma_wait3A_591, %dma_wait3A_598, %dma_wait3A_599] : memref<4096x200x128xf32, #tpu.memory_space<hbm>> -> memref<1x100x64xf32, #tpu.memory_space<hbm>>
        %dma_wait3A_601 = tpu.memref_squeeze %dma_wait3A_600 : memref<1x100x64xf32, #tpu.memory_space<hbm>> -> memref<100x64xf32, #tpu.memory_space<hbm>>
        %dma_wait3A_602 = tpu.memref_slice %arg9[%dma_wait3A_593] : memref<4x!tpu.dma_semaphore, #tpu.memory_space<semaphore_mem>> -> memref<1x!tpu.dma_semaphore, #tpu.memory_space<semaphore_mem>>
        %dma_wait3A_603 = tpu.memref_squeeze %dma_wait3A_602 : memref<1x!tpu.dma_semaphore, #tpu.memory_space<semaphore_mem>> -> memref<!tpu.dma_semaphore, #tpu.memory_space<semaphore_mem>>
        %dma_wait3A_604 = arith.constant 0 : i32
        %dma_wait3A_605 = arith.constant 0 : i32
        %dma_wait3A_606 = tpu.memref_slice %arg7[%dma_wait3A_592, %dma_wait3A_604, %dma_wait3A_605] : memref<4x100x64xf32, #tpu.memory_space<vmem>> -> memref<1x100x64xf32, #tpu.memory_space<vmem>>
        %dma_wait3A_607 = tpu.memref_squeeze %dma_wait3A_606 : memref<1x100x64xf32, #tpu.memory_space<vmem>> -> memref<100x64xf32, #tpu.memory_space<vmem>>
        %dma_wait3A_608 = arith.constant 0 : i32
        %dma_wait3A_609 = arith.constant 0 : i32
        %dma_wait3A_610 = tpu.memref_slice %arg5[%dma_wait3A_591, %dma_wait3A_608, %dma_wait3A_609] : memref<4096x200x128xf32, #tpu.memory_space<hbm>> -> memref<1x100x64xf32, #tpu.memory_space<hbm>>
        %dma_wait3A_611 = tpu.memref_squeeze %dma_wait3A_610 : memref<1x100x64xf32, #tpu.memory_space<hbm>> -> memref<100x64xf32, #tpu.memory_space<hbm>>
        tpu.wait_dma2 semaphore(%dma_wait3A_603 : memref<!tpu.dma_semaphore, #tpu.memory_space<semaphore_mem>>) src(%dma_wait3A_611 : memref<100x64xf32, #tpu.memory_space<hbm>>) dst(%dma_wait3A_607 : memref<100x64xf32, #tpu.memory_space<vmem>>)
        %add3A_612 = arith.constant 1 : i32
        %add3A_613 = arith.addi %add3A_492, %add3A_612 : i32
        %dma_start3A_614 = arith.constant 0 : i32
        %dma_start3A_615 = arith.constant 0 : i32
        %dma_start3A_616 = arith.constant 0 : i32
        %dma_start3A_617 = arith.constant 0 : i32
        %dma_start3A_618 = tpu.memref_slice %arg7[%dma_start3A_614, %dma_start3A_616, %dma_start3A_617] : memref<4x100x64xf32, #tpu.memory_space<vmem>> -> memref<1x100x64xf32, #tpu.memory_space<vmem>>
        %dma_start3A_619 = tpu.memref_squeeze %dma_start3A_618 : memref<1x100x64xf32, #tpu.memory_space<vmem>> -> memref<100x64xf32, #tpu.memory_space<vmem>>
        %dma_start3A_620 = arith.constant 0 : i32
        %dma_start3A_621 = tpu.memref_slice %arg6[%add3A_613, %dma_start3A_620] : memref<256x100xi32, #tpu.memory_space<vmem>> -> memref<1x100xi32, #tpu.memory_space<vmem>>
        %dma_start3A_622 = tpu.memref_squeeze %dma_start3A_621 : memref<1x100xi32, #tpu.memory_space<vmem>> -> memref<100xi32, #tpu.memory_space<vmem>>
        %dma_start3A_623 = arith.constant 0 : i32
        %dma_start3A_624 = arith.constant 0 : i32
        %dma_start3A_625 = tpu.memref_slice %arg4[%dma_start3A_623, %dma_start3A_624] : memref<1048576x64xf32, #tpu.memory_space<hbm>> -> memref<1048576x64xf32, #tpu.memory_space<hbm>>
        %dma_start3A_626 = tpu.memref_slice %arg10[%dma_start3A_615] : memref<4x!tpu.dma_semaphore, #tpu.memory_space<semaphore_mem>> -> memref<1x!tpu.dma_semaphore, #tpu.memory_space<semaphore_mem>>
        %dma_start3A_627 = tpu.memref_squeeze %dma_start3A_626 : memref<1x!tpu.dma_semaphore, #tpu.memory_space<semaphore_mem>> -> memref<!tpu.dma_semaphore, #tpu.memory_space<semaphore_mem>>
        tpu.enqueue_indirect_dma source(%dma_start3A_625 : memref<1048576x64xf32, #tpu.memory_space<hbm>>) target(%dma_start3A_619 : memref<100x64xf32, #tpu.memory_space<vmem>>) offsets(%dma_start3A_622 : memref<100xi32, #tpu.memory_space<vmem>>) semaphore(%dma_start3A_627 : memref<!tpu.dma_semaphore, #tpu.memory_space<semaphore_mem>>) {add = true}
      } else {
      }
      %dma_wait3A_509 = arith.constant 0 : i32
      %dma_wait3A_510 = arith.constant 3 : i32
      %dma_wait3A_511 = arith.constant 3 : i32
      %dma_wait3A_512 = arith.constant 0 : i32
      %dma_wait3A_513 = arith.constant 0 : i32
      %dma_wait3A_514 = tpu.memref_slice %arg7[%dma_wait3A_510, %dma_wait3A_512, %dma_wait3A_513] : memref<4x100x64xf32, #tpu.memory_space<vmem>> -> memref<1x100x64xf32, #tpu.memory_space<vmem>>
      %dma_wait3A_515 = tpu.memref_squeeze %dma_wait3A_514 : memref<1x100x64xf32, #tpu.memory_space<vmem>> -> memref<100x64xf32, #tpu.memory_space<vmem>>
      %dma_wait3A_516 = arith.constant 0 : i32
      %dma_wait3A_517 = arith.constant 0 : i32
      %dma_wait3A_518 = tpu.memref_slice %arg5[%dma_wait3A_509, %dma_wait3A_516, %dma_wait3A_517] : memref<4096x200x128xf32, #tpu.memory_space<hbm>> -> memref<1x100x64xf32, #tpu.memory_space<hbm>>
      %dma_wait3A_519 = tpu.memref_squeeze %dma_wait3A_518 : memref<1x100x64xf32, #tpu.memory_space<hbm>> -> memref<100x64xf32, #tpu.memory_space<hbm>>
      %dma_wait3A_520 = tpu.memref_slice %arg10[%dma_wait3A_511] : memref<4x!tpu.dma_semaphore, #tpu.memory_space<semaphore_mem>> -> memref<1x!tpu.dma_semaphore, #tpu.memory_space<semaphore_mem>>
      %dma_wait3A_521 = tpu.memref_squeeze %dma_wait3A_520 : memref<1x!tpu.dma_semaphore, #tpu.memory_space<semaphore_mem>> -> memref<!tpu.dma_semaphore, #tpu.memory_space<semaphore_mem>>
      %dma_wait3A_522 = arith.constant 0 : i32
      %dma_wait3A_523 = arith.constant 0 : i32
      %dma_wait3A_524 = tpu.memref_slice %arg7[%dma_wait3A_510, %dma_wait3A_522, %dma_wait3A_523] : memref<4x100x64xf32, #tpu.memory_space<vmem>> -> memref<1x100x64xf32, #tpu.memory_space<vmem>>
      %dma_wait3A_525 = tpu.memref_squeeze %dma_wait3A_524 : memref<1x100x64xf32, #tpu.memory_space<vmem>> -> memref<100x64xf32, #tpu.memory_space<vmem>>
      %dma_wait3A_526 = arith.constant 0 : i32
      %dma_wait3A_527 = arith.constant 0 : i32
      %dma_wait3A_528 = tpu.memref_slice %arg5[%dma_wait3A_509, %dma_wait3A_526, %dma_wait3A_527] : memref<4096x200x128xf32, #tpu.memory_space<hbm>> -> memref<1x100x64xf32, #tpu.memory_space<hbm>>
      %dma_wait3A_529 = tpu.memref_squeeze %dma_wait3A_528 : memref<1x100x64xf32, #tpu.memory_space<hbm>> -> memref<100x64xf32, #tpu.memory_space<hbm>>
      tpu.wait_dma2 semaphore(%dma_wait3A_521 : memref<!tpu.dma_semaphore, #tpu.memory_space<semaphore_mem>>) src(%dma_wait3A_529 : memref<100x64xf32, #tpu.memory_space<hbm>>) dst(%dma_wait3A_525 : memref<100x64xf32, #tpu.memory_space<vmem>>)
      %add3A_530 = arith.addi %mul3A_2, %add3A_492 : i32
      %jit3A_531 = arith.constant 2 : i32
      %div3A_532 = arith.divsi %add3A_530, %jit3A_531 : i32
      %sign3A_533 = arith.constant 0 : i32
      %sign3A_534 = arith.cmpi sgt, %add3A_530, %sign3A_533 : i32
      %sign3A_535 = arith.extui %sign3A_534 : i1 to i32
      %sign3A_536 = arith.constant 0 : i32
      %sign3A_537 = arith.cmpi slt, %add3A_530, %sign3A_536 : i32
      %sign3A_538 = arith.extui %sign3A_537 : i1 to i32
      %sign3A_539 = arith.subi %sign3A_535, %sign3A_538 : i32
      %sign3A_540 = arith.constant 0 : i32
      %sign3A_541 = arith.cmpi sgt, %jit3A_531, %sign3A_540 : i32
      %sign3A_542 = arith.extui %sign3A_541 : i1 to i32
      %sign3A_543 = arith.constant 0 : i32
      %sign3A_544 = arith.cmpi slt, %jit3A_531, %sign3A_543 : i32
      %sign3A_545 = arith.extui %sign3A_544 : i1 to i32
      %sign3A_546 = arith.subi %sign3A_542, %sign3A_545 : i32
      %ne3A_547 = arith.cmpi ne, %sign3A_539, %sign3A_546 : i32
      %rem3A_548 = arith.remsi %add3A_530, %jit3A_531 : i32
      %ne3A_549 = arith.constant 0 : i32
      %ne3A_550 = arith.cmpi ne, %rem3A_548, %ne3A_549 : i32
      %and3A_551 = arith.andi %ne3A_547, %ne3A_550 : i1
      %sub3A_552 = arith.constant 1 : i32
      %sub3A_553 = arith.subi %div3A_532, %sub3A_552 : i32
      %select_n3A_554 = arith.select %and3A_551, %sub3A_553, %div3A_532 : i32
      %jit3A_555 = arith.constant 2 : i32
      %eq3A_556 = arith.constant 0 : i32
      %eq3A_557 = arith.cmpi eq, %jit3A_555, %eq3A_556 : i32
      %jit3A_558 = arith.constant 1 : i32
      %select_n3A_559 = arith.select %eq3A_557, %jit3A_558, %jit3A_555 : i32
      %rem3A_560 = arith.remsi %add3A_530, %select_n3A_559 : i32
      %ne3A_561 = arith.constant 0 : i32
      %ne3A_562 = arith.cmpi ne, %rem3A_560, %ne3A_561 : i32
      %lt3A_563 = arith.constant 0 : i32
      %lt3A_564 = arith.cmpi slt, %rem3A_560, %lt3A_563 : i32
      %lt3A_565 = arith.constant 0 : i32
      %lt3A_566 = arith.cmpi slt, %select_n3A_559, %lt3A_565 : i32
      %ne3A_567 = arith.xori %lt3A_564, %lt3A_566 : i1
      %and3A_568 = arith.andi %ne3A_567, %ne3A_562 : i1
      %add3A_569 = arith.addi %rem3A_560, %select_n3A_559 : i32
      %select_n3A_570 = arith.select %and3A_568, %add3A_569, %rem3A_560 : i32
      %mul3A_571 = arith.constant 100 : i32
      %mul3A_572 = arith.muli %select_n3A_570, %mul3A_571 : i32
      %dma_start3A_573 = arith.constant 3 : i32
      %dma_start3A_574 = arith.constant 3 : i32
      %dma_start3A_575 = arith.constant 0 : i32
      %dma_start3A_576 = arith.constant 0 : i32
      %dma_start3A_577 = tpu.memref_slice %arg7[%dma_start3A_573, %dma_start3A_575, %dma_start3A_576] : memref<4x100x64xf32, #tpu.memory_space<vmem>> -> memref<1x100x64xf32, #tpu.memory_space<vmem>>
      %dma_start3A_578 = tpu.memref_squeeze %dma_start3A_577 : memref<1x100x64xf32, #tpu.memory_space<vmem>> -> memref<100x64xf32, #tpu.memory_space<vmem>>
      %dma_start3A_579 = arith.constant 0 : i32
      %dma_start3A_580 = tpu.memref_slice %arg5[%select_n3A_554, %mul3A_572, %dma_start3A_579] : memref<4096x200x128xf32, #tpu.memory_space<hbm>> -> memref<1x100x64xf32, #tpu.memory_space<hbm>>
      %dma_start3A_581 = tpu.memref_squeeze %dma_start3A_580 : memref<1x100x64xf32, #tpu.memory_space<hbm>> -> memref<100x64xf32, #tpu.memory_space<hbm>>
      %dma_start3A_582 = tpu.memref_slice %arg11[%dma_start3A_574] : memref<4x!tpu.dma_semaphore, #tpu.memory_space<semaphore_mem>> -> memref<1x!tpu.dma_semaphore, #tpu.memory_space<semaphore_mem>>
      %dma_start3A_583 = tpu.memref_squeeze %dma_start3A_582 : memref<1x!tpu.dma_semaphore, #tpu.memory_space<semaphore_mem>> -> memref<!tpu.dma_semaphore, #tpu.memory_space<semaphore_mem>>
      %dma_start3A_584 = arith.constant 0 : i32
      %dma_start3A_585 = tpu.memref_slice %arg5[%select_n3A_554, %mul3A_572, %dma_start3A_584] : memref<4096x200x128xf32, #tpu.memory_space<hbm>> -> memref<1x100x64xf32, #tpu.memory_space<hbm>>
      %dma_start3A_586 = tpu.memref_squeeze %dma_start3A_585 : memref<1x100x64xf32, #tpu.memory_space<hbm>> -> memref<100x64xf32, #tpu.memory_space<hbm>>
      %dma_start3A_587 = arith.constant 0 : i32
      %dma_start3A_588 = arith.constant 0 : i32
      %dma_start3A_589 = tpu.memref_slice %arg7[%dma_start3A_573, %dma_start3A_587, %dma_start3A_588] : memref<4x100x64xf32, #tpu.memory_space<vmem>> -> memref<1x100x64xf32, #tpu.memory_space<vmem>>
      %dma_start3A_590 = tpu.memref_squeeze %dma_start3A_589 : memref<1x100x64xf32, #tpu.memory_space<vmem>> -> memref<100x64xf32, #tpu.memory_space<vmem>>
      tpu.enqueue_dma source(%dma_start3A_590 : memref<100x64xf32, #tpu.memory_space<vmem>>) target(%dma_start3A_586 : memref<100x64xf32, #tpu.memory_space<hbm>>) target_semaphore(%dma_start3A_583 : memref<!tpu.dma_semaphore, #tpu.memory_space<semaphore_mem>>)
    }
    %scan3A_106 = arith.constant 64 : i32
    %dma_wait3A_107 = arith.constant 0 : i32
    %dma_wait3A_108 = arith.constant 0 : i32
    %dma_wait3A_109 = arith.constant 0 : i32
    %dma_wait3A_110 = arith.constant 0 : i32
    %dma_wait3A_111 = arith.constant 0 : i32
    %dma_wait3A_112 = tpu.memref_slice %arg7[%dma_wait3A_108, %dma_wait3A_110, %dma_wait3A_111] : memref<4x100x64xf32, #tpu.memory_space<vmem>> -> memref<1x100x64xf32, #tpu.memory_space<vmem>>
    %dma_wait3A_113 = tpu.memref_squeeze %dma_wait3A_112 : memref<1x100x64xf32, #tpu.memory_space<vmem>> -> memref<100x64xf32, #tpu.memory_space<vmem>>
    %dma_wait3A_114 = arith.constant 0 : i32
    %dma_wait3A_115 = arith.constant 0 : i32
    %dma_wait3A_116 = tpu.memref_slice %arg5[%dma_wait3A_107, %dma_wait3A_114, %dma_wait3A_115] : memref<4096x200x128xf32, #tpu.memory_space<hbm>> -> memref<1x100x64xf32, #tpu.memory_space<hbm>>
    %dma_wait3A_117 = tpu.memref_squeeze %dma_wait3A_116 : memref<1x100x64xf32, #tpu.memory_space<hbm>> -> memref<100x64xf32, #tpu.memory_space<hbm>>
    %dma_wait3A_118 = tpu.memref_slice %arg11[%dma_wait3A_109] : memref<4x!tpu.dma_semaphore, #tpu.memory_space<semaphore_mem>> -> memref<1x!tpu.dma_semaphore, #tpu.memory_space<semaphore_mem>>
    %dma_wait3A_119 = tpu.memref_squeeze %dma_wait3A_118 : memref<1x!tpu.dma_semaphore, #tpu.memory_space<semaphore_mem>> -> memref<!tpu.dma_semaphore, #tpu.memory_space<semaphore_mem>>
    %dma_wait3A_120 = arith.constant 0 : i32
    %dma_wait3A_121 = arith.constant 0 : i32
    %dma_wait3A_122 = tpu.memref_slice %arg7[%dma_wait3A_108, %dma_wait3A_120, %dma_wait3A_121] : memref<4x100x64xf32, #tpu.memory_space<vmem>> -> memref<1x100x64xf32, #tpu.memory_space<vmem>>
    %dma_wait3A_123 = tpu.memref_squeeze %dma_wait3A_122 : memref<1x100x64xf32, #tpu.memory_space<vmem>> -> memref<100x64xf32, #tpu.memory_space<vmem>>
    %dma_wait3A_124 = arith.constant 0 : i32
    %dma_wait3A_125 = arith.constant 0 : i32
    %dma_wait3A_126 = tpu.memref_slice %arg5[%dma_wait3A_107, %dma_wait3A_124, %dma_wait3A_125] : memref<4096x200x128xf32, #tpu.memory_space<hbm>> -> memref<1x100x64xf32, #tpu.memory_space<hbm>>
    %dma_wait3A_127 = tpu.memref_squeeze %dma_wait3A_126 : memref<1x100x64xf32, #tpu.memory_space<hbm>> -> memref<100x64xf32, #tpu.memory_space<hbm>>
    tpu.wait_dma2 semaphore(%dma_wait3A_119 : memref<!tpu.dma_semaphore, #tpu.memory_space<semaphore_mem>>) src(%dma_wait3A_127 : memref<100x64xf32, #tpu.memory_space<hbm>>) dst(%dma_wait3A_123 : memref<100x64xf32, #tpu.memory_space<vmem>>)
    %dma_wait3A_128 = arith.constant 0 : i32
    %dma_wait3A_129 = arith.constant 1 : i32
    %dma_wait3A_130 = arith.constant 1 : i32
    %dma_wait3A_131 = arith.constant 0 : i32
    %dma_wait3A_132 = arith.constant 0 : i32
    %dma_wait3A_133 = tpu.memref_slice %arg7[%dma_wait3A_129, %dma_wait3A_131, %dma_wait3A_132] : memref<4x100x64xf32, #tpu.memory_space<vmem>> -> memref<1x100x64xf32, #tpu.memory_space<vmem>>
    %dma_wait3A_134 = tpu.memref_squeeze %dma_wait3A_133 : memref<1x100x64xf32, #tpu.memory_space<vmem>> -> memref<100x64xf32, #tpu.memory_space<vmem>>
    %dma_wait3A_135 = arith.constant 0 : i32
    %dma_wait3A_136 = arith.constant 0 : i32
    %dma_wait3A_137 = tpu.memref_slice %arg5[%dma_wait3A_128, %dma_wait3A_135, %dma_wait3A_136] : memref<4096x200x128xf32, #tpu.memory_space<hbm>> -> memref<1x100x64xf32, #tpu.memory_space<hbm>>
    %dma_wait3A_138 = tpu.memref_squeeze %dma_wait3A_137 : memref<1x100x64xf32, #tpu.memory_space<hbm>> -> memref<100x64xf32, #tpu.memory_space<hbm>>
    %dma_wait3A_139 = tpu.memref_slice %arg11[%dma_wait3A_130] : memref<4x!tpu.dma_semaphore, #tpu.memory_space<semaphore_mem>> -> memref<1x!tpu.dma_semaphore, #tpu.memory_space<semaphore_mem>>
    %dma_wait3A_140 = tpu.memref_squeeze %dma_wait3A_139 : memref<1x!tpu.dma_semaphore, #tpu.memory_space<semaphore_mem>> -> memref<!tpu.dma_semaphore, #tpu.memory_space<semaphore_mem>>
    %dma_wait3A_141 = arith.constant 0 : i32
    %dma_wait3A_142 = arith.constant 0 : i32
    %dma_wait3A_143 = tpu.memref_slice %arg7[%dma_wait3A_129, %dma_wait3A_141, %dma_wait3A_142] : memref<4x100x64xf32, #tpu.memory_space<vmem>> -> memref<1x100x64xf32, #tpu.memory_space<vmem>>
    %dma_wait3A_144 = tpu.memref_squeeze %dma_wait3A_143 : memref<1x100x64xf32, #tpu.memory_space<vmem>> -> memref<100x64xf32, #tpu.memory_space<vmem>>
    %dma_wait3A_145 = arith.constant 0 : i32
    %dma_wait3A_146 = arith.constant 0 : i32
    %dma_wait3A_147 = tpu.memref_slice %arg5[%dma_wait3A_128, %dma_wait3A_145, %dma_wait3A_146] : memref<4096x200x128xf32, #tpu.memory_space<hbm>> -> memref<1x100x64xf32, #tpu.memory_space<hbm>>
    %dma_wait3A_148 = tpu.memref_squeeze %dma_wait3A_147 : memref<1x100x64xf32, #tpu.memory_space<hbm>> -> memref<100x64xf32, #tpu.memory_space<hbm>>
    tpu.wait_dma2 semaphore(%dma_wait3A_140 : memref<!tpu.dma_semaphore, #tpu.memory_space<semaphore_mem>>) src(%dma_wait3A_148 : memref<100x64xf32, #tpu.memory_space<hbm>>) dst(%dma_wait3A_144 : memref<100x64xf32, #tpu.memory_space<vmem>>)
    %dma_wait3A_149 = arith.constant 0 : i32
    %dma_wait3A_150 = arith.constant 2 : i32
    %dma_wait3A_151 = arith.constant 2 : i32
    %dma_wait3A_152 = arith.constant 0 : i32
    %dma_wait3A_153 = arith.constant 0 : i32
    %dma_wait3A_154 = tpu.memref_slice %arg7[%dma_wait3A_150, %dma_wait3A_152, %dma_wait3A_153] : memref<4x100x64xf32, #tpu.memory_space<vmem>> -> memref<1x100x64xf32, #tpu.memory_space<vmem>>
    %dma_wait3A_155 = tpu.memref_squeeze %dma_wait3A_154 : memref<1x100x64xf32, #tpu.memory_space<vmem>> -> memref<100x64xf32, #tpu.memory_space<vmem>>
    %dma_wait3A_156 = arith.constant 0 : i32
    %dma_wait3A_157 = arith.constant 0 : i32
    %dma_wait3A_158 = tpu.memref_slice %arg5[%dma_wait3A_149, %dma_wait3A_156, %dma_wait3A_157] : memref<4096x200x128xf32, #tpu.memory_space<hbm>> -> memref<1x100x64xf32, #tpu.memory_space<hbm>>
    %dma_wait3A_159 = tpu.memref_squeeze %dma_wait3A_158 : memref<1x100x64xf32, #tpu.memory_space<hbm>> -> memref<100x64xf32, #tpu.memory_space<hbm>>
    %dma_wait3A_160 = tpu.memref_slice %arg11[%dma_wait3A_151] : memref<4x!tpu.dma_semaphore, #tpu.memory_space<semaphore_mem>> -> memref<1x!tpu.dma_semaphore, #tpu.memory_space<semaphore_mem>>
    %dma_wait3A_161 = tpu.memref_squeeze %dma_wait3A_160 : memref<1x!tpu.dma_semaphore, #tpu.memory_space<semaphore_mem>> -> memref<!tpu.dma_semaphore, #tpu.memory_space<semaphore_mem>>
    %dma_wait3A_162 = arith.constant 0 : i32
    %dma_wait3A_163 = arith.constant 0 : i32
    %dma_wait3A_164 = tpu.memref_slice %arg7[%dma_wait3A_150, %dma_wait3A_162, %dma_wait3A_163] : memref<4x100x64xf32, #tpu.memory_space<vmem>> -> memref<1x100x64xf32, #tpu.memory_space<vmem>>
    %dma_wait3A_165 = tpu.memref_squeeze %dma_wait3A_164 : memref<1x100x64xf32, #tpu.memory_space<vmem>> -> memref<100x64xf32, #tpu.memory_space<vmem>>
    %dma_wait3A_166 = arith.constant 0 : i32
    %dma_wait3A_167 = arith.constant 0 : i32
    %dma_wait3A_168 = tpu.memref_slice %arg5[%dma_wait3A_149, %dma_wait3A_166, %dma_wait3A_167] : memref<4096x200x128xf32, #tpu.memory_space<hbm>> -> memref<1x100x64xf32, #tpu.memory_space<hbm>>
    %dma_wait3A_169 = tpu.memref_squeeze %dma_wait3A_168 : memref<1x100x64xf32, #tpu.memory_space<hbm>> -> memref<100x64xf32, #tpu.memory_space<hbm>>
    tpu.wait_dma2 semaphore(%dma_wait3A_161 : memref<!tpu.dma_semaphore, #tpu.memory_space<semaphore_mem>>) src(%dma_wait3A_169 : memref<100x64xf32, #tpu.memory_space<hbm>>) dst(%dma_wait3A_165 : memref<100x64xf32, #tpu.memory_space<vmem>>)
    %dma_wait3A_170 = arith.constant 0 : i32
    %dma_wait3A_171 = arith.constant 3 : i32
    %dma_wait3A_172 = arith.constant 3 : i32
    %dma_wait3A_173 = arith.constant 0 : i32
    %dma_wait3A_174 = arith.constant 0 : i32
    %dma_wait3A_175 = tpu.memref_slice %arg7[%dma_wait3A_171, %dma_wait3A_173, %dma_wait3A_174] : memref<4x100x64xf32, #tpu.memory_space<vmem>> -> memref<1x100x64xf32, #tpu.memory_space<vmem>>
    %dma_wait3A_176 = tpu.memref_squeeze %dma_wait3A_175 : memref<1x100x64xf32, #tpu.memory_space<vmem>> -> memref<100x64xf32, #tpu.memory_space<vmem>>
    %dma_wait3A_177 = arith.constant 0 : i32
    %dma_wait3A_178 = arith.constant 0 : i32
    %dma_wait3A_179 = tpu.memref_slice %arg5[%dma_wait3A_170, %dma_wait3A_177, %dma_wait3A_178] : memref<4096x200x128xf32, #tpu.memory_space<hbm>> -> memref<1x100x64xf32, #tpu.memory_space<hbm>>
    %dma_wait3A_180 = tpu.memref_squeeze %dma_wait3A_179 : memref<1x100x64xf32, #tpu.memory_space<hbm>> -> memref<100x64xf32, #tpu.memory_space<hbm>>
    %dma_wait3A_181 = tpu.memref_slice %arg11[%dma_wait3A_172] : memref<4x!tpu.dma_semaphore, #tpu.memory_space<semaphore_mem>> -> memref<1x!tpu.dma_semaphore, #tpu.memory_space<semaphore_mem>>
    %dma_wait3A_182 = tpu.memref_squeeze %dma_wait3A_181 : memref<1x!tpu.dma_semaphore, #tpu.memory_space<semaphore_mem>> -> memref<!tpu.dma_semaphore, #tpu.memory_space<semaphore_mem>>
    %dma_wait3A_183 = arith.constant 0 : i32
    %dma_wait3A_184 = arith.constant 0 : i32
    %dma_wait3A_185 = tpu.memref_slice %arg7[%dma_wait3A_171, %dma_wait3A_183, %dma_wait3A_184] : memref<4x100x64xf32, #tpu.memory_space<vmem>> -> memref<1x100x64xf32, #tpu.memory_space<vmem>>
    %dma_wait3A_186 = tpu.memref_squeeze %dma_wait3A_185 : memref<1x100x64xf32, #tpu.memory_space<vmem>> -> memref<100x64xf32, #tpu.memory_space<vmem>>
    %dma_wait3A_187 = arith.constant 0 : i32
    %dma_wait3A_188 = arith.constant 0 : i32
    %dma_wait3A_189 = tpu.memref_slice %arg5[%dma_wait3A_170, %dma_wait3A_187, %dma_wait3A_188] : memref<4096x200x128xf32, #tpu.memory_space<hbm>> -> memref<1x100x64xf32, #tpu.memory_space<hbm>>
    %dma_wait3A_190 = tpu.memref_squeeze %dma_wait3A_189 : memref<1x100x64xf32, #tpu.memory_space<hbm>> -> memref<100x64xf32, #tpu.memory_space<hbm>>
    tpu.wait_dma2 semaphore(%dma_wait3A_182 : memref<!tpu.dma_semaphore, #tpu.memory_space<semaphore_mem>>) src(%dma_wait3A_190 : memref<100x64xf32, #tpu.memory_space<hbm>>) dst(%dma_wait3A_186 : memref<100x64xf32, #tpu.memory_space<vmem>>)
    return
  }
}

module attributes {stable_mosaic.version = 14 : i64} {
  func.func @_fmt_body(%arg0: i32, %arg1: memref<64x8192xf32, #tpu.memory_space<vmem>>, %arg2: memref<64x8192xf32, #tpu.memory_space<vmem>>, %arg3: memref<8192x128xf32, #tpu.memory_space<vmem>>) attributes {dimension_semantics = [#tpu.dimension_semantics<arbitrary>], iteration_bounds = array<i64: 64>, scalar_prefetch = 0 : i64, scratch_operands = 0 : i64, tpu.core_type = #tpu.core_type<tc>, window_params = [{transform_indices = @transform_0, window_bounds = array<i64: 64, 8192>}, {transform_indices = @transform_1, window_bounds = array<i64: 64, 8192>}, {transform_indices = @transform_2, window_bounds = array<i64: 8192, 128>}]} {
    %get3A = arith.constant 0 : index
    %get3A_0 = arith.constant 0 : index
    %get3A_1 = vector.load %arg1[%get3A, %get3A_0] : memref<64x8192xf32, #tpu.memory_space<vmem>>, vector<64x8192xf32>
    %transpose3A = tpu.transpose %get3A_1, [1, 0] : vector<64x8192xf32> -> vector<8192x64xf32>
    %swap3A = arith.constant 0 : index
    %swap3A_2 = arith.constant 0 : index
    %swap3A_3 = vector.load %arg3[%swap3A, %swap3A_2] : memref<8192x128xf32, #tpu.memory_space<vmem>>, vector<8192x64xf32>
    tpu.vector_store %arg3[%swap3A, %swap3A_2], %transpose3A {strides = array<i32>} : memref<8192x128xf32, #tpu.memory_space<vmem>>, vector<8192x64xf32>,
    %get3A_4 = arith.constant 0 : index
    %get3A_5 = arith.constant 0 : index
    %get3A_6 = vector.load %arg2[%get3A_4, %get3A_5] : memref<64x8192xf32, #tpu.memory_space<vmem>>, vector<64x8192xf32>
    %transpose3A_7 = tpu.transpose %get3A_6, [1, 0] : vector<64x8192xf32> -> vector<8192x64xf32>
    %swap3A_8 = arith.constant 0 : index
    %swap3A_9 = arith.constant 64 : index
    %swap3A_10 = vector.load %arg3[%swap3A_8, %swap3A_9] : memref<8192x128xf32, #tpu.memory_space<vmem>>, vector<8192x64xf32>
    tpu.vector_store %arg3[%swap3A_8, %swap3A_9], %transpose3A_7 {strides = array<i32>} : memref<8192x128xf32, #tpu.memory_space<vmem>>, vector<8192x64xf32>,
    return
  }
  func.func @transform_0(%arg0: i32) -> (i32, i32) {
    %c0_i32 = arith.constant 0 : i32
    %c0_i32_0 = arith.constant 0 : i32
    return %c0_i32, %arg0 : i32, i32
  }
  func.func @transform_1(%arg0: i32) -> (i32, i32) {
    %add3A = arith.constant 64 : i32
    %add3A_0 = arith.addi %arg0, %add3A : i32
    %min3A = arith.constant 122 : i32
    %min3A_1 = arith.minsi %add3A_0, %min3A : i32
    %c0_i32 = arith.constant 0 : i32
    %c0_i32_2 = arith.constant 0 : i32
    return %c0_i32, %min3A_1 : i32, i32
  }
  func.func @transform_2(%arg0: i32) -> (i32, i32) {
    %c0_i32 = arith.constant 0 : i32
    %c0_i32_0 = arith.constant 0 : i32
    return %arg0, %c0_i32 : i32, i32
  }
}

</mosaic_0001>

<sc_bundles>
// kernel: kernel.4.cloned.1.call-start
scs
__scs_entry_jumppad:
0x0: {  	(pc) =	sbr.rel $0x88, $3  }
0x1: {  	(tag) =	ssettag $0x0;
	lr =	simm.s32 $0x1  }
0x2: {  	[smem:$0x3F9F] =	sst lr;
	_ =	strace $0xD0000000  }
0x3: {  	_ = 	snop  }
0x4: {  	_ = 	snop  }
0x5: {  	_ = 	snop  }
0x6: {  	_ = 	snop  }
0x7: {  	_ = 	snop  }
__scs_overlays_trampoline_lowered:
0x8: {  	[smem:$0x3FAE] =	sst s0  }
0x9: {  	[smem:$0x3FAF] =	sst s1  }
0xa: {  	[smem:$0x3FB0] =	sst s2  }
0xb: {  	[smem:$0x3FB1] =	sst s3  }
0xc: {  	[smem:$0x3FB2] =	sst s4  }
0xd: {  	[smem:$0x3FB3] =	sst s5  }
0xe: {  	[smem:$0x3FB4] =	sst s6  }
0xf: {  	[smem:$0x3FB5] =	sst s7  }
0x10: {  	[smem:$0x3FB6] =	sst s8  }
0x11: {  	[smem:$0x3FB7] =	sst s9;
	s0 =	simm.s32 @!p0 $0x0  }
0x12: {  	s1 =	sld [smem:$0x3F9D];
	s0 =	simm.s32 @p0 $0x1  }
0x13: {  	[smem:$0x3FB8] =	sst s0;
	s0 =	simm.s32 @!p1 $0x0  }
0x14: {  	s2 =	sld [smem:$0x3F9C];
	s0 =	simm.s32 @p1 $0x1  }
0x15: {  	[smem:$0x3FB9] =	sst s0;
	s0 =	simm.s32 @!p2 $0x0  }
0x16: {  	s3 =	sld [smem:$0x3FDB];
	s0 =	simm.s32 @p2 $0x1  }
0x17: {  	s4 =	simm.s32 $0x1BF5;
	[smem:$0x3FBB] =	sst s0  }
0x18: {  	s0 =	sld [smem:$0x3F9E];
	_ =	swait.ge [sflag:s4], $0x0  }
0x19: {  	s7 =	sld [smem:$0x3F9F]  }
0x1a: {  	s8 =	sadd.s32 $0xFFFFE003, lr  }
0x1b: {  	s9 =	sadd.s32 $0xFFFFFEF7, lr;
	s5 =	simm.s32 $0xFFFFFFFF;
	p2 =	slt.u32 s8, $0xFFFFF086  }
0x1c: {  	p1 =	slt.u32 s9, $0xF7A;
	s5 =	simm.s32 @!p2 $0x0  }
0x1d: {  	s5 =	simm.s32 @p1 $0x1;
	p0 =	seq.s32 s7, s2  }
0x1e: {  	s7 =	smul.u32 @!p0 $0xF7A, s2;
	p2 =	seq.s32 @!p0 s5, $0x0  }
0x1f: {  	s9 =	smul.u32 $0xF7A, s1;
	s8 =	simm.s32 @!p0 $0x1BF5;
	p2 =	por !p2, p0  }
0x20: {  	[sflag:s8] =	ssyncset.s32 @!p0 $0xFFFFF086;
	s6 =	sadd.s32 @!p0 s3, s7;
	s7 =	simm.s32 @!p0 $0x108  }
0x21: {  	s3 =	sadd.s32 s3, s9;
	s6 =	sadd.s32 @!p0 $0x88, s6;
	s7 =	simm.s32 @p2 $0x1082  }
0x22: {  	[simem:s7], [sflag:s8] =	dma.local @!p0 [hbm:s6], $0xF7A  }
0x23: {  	s9 =	sor.u32 $0xD0000000, s2;
	s6 =	simm.s32 $0x108;
	_ =	swait.ge @!p0 [sflag:s8], $0x0  }
0x24: {  	s3 =	sadd.s32 $0x88, s3;
	s6 =	simm.s32 @!p1 $0x1082;
	[sflag:s4] =	ssyncset.s32 $0xFFFFF086  }
0x25: {  	[simem:s6], [sflag:s4] =	dma.local [hbm:s3], $0xF7A  }
0x26: {  	[smem:$0x3F9F] =	sst s1;
	(tag) =	ssettag s2;
	_ =	strace s9  }
0x27: {  	s1 =	sld [smem:$0x3FAF]  }
0x28: {  	s2 =	sld [smem:$0x3FB0]  }
0x29: {  	s4 =	sld [smem:$0x3FB2]  }
0x2a: {  	p0 =	seq.s32 s5, $0x0;
	s5 =	sld [smem:$0x3FB3]  }
0x2b: {  	s6 =	sld [smem:$0x3FB4]  }
0x2c: {  	s7 =	sld [smem:$0x3FB5]  }
0x2d: {  	s3 =	simm.s32 $0x108;
	s8 =	sld [smem:$0x3FB6]  }
0x2e: {  	s3 =	simm.s32 @!p0 $0x1082;
	s9 =	sld [smem:$0x3FB7]  }
0x2f: {  	lr =	sadd.s32 s0, s3;
	s0 =	sld [smem:$0x3FAE]  }
0x30: {  	s3 =	sld [smem:$0x3FB1]  }
0x31: {  	[smem:$0x3FBA] =	sst s10  }
0x32: {  	s10 =	sld [smem:$0x3FB8];
	_ =	sdelay $0x3  }
0x33: {  	p0 =	seq.s32 s10, $0x1;
	s10 =	sld [smem:$0x3FBA];
	_ =	sdelay $0x3  }
0x34: {  	[smem:$0x3FBA] =	sst s10  }
0x35: {  	s10 =	sld [smem:$0x3FB9];
	_ =	sdelay $0x3  }
0x36: {  	p1 =	seq.s32 s10, $0x1;
	s10 =	sld [smem:$0x3FBA];
	_ =	sdelay $0x3  }
0x37: {  	[smem:$0x3FBA] =	sst s10  }
0x38: {  	s10 =	sld [smem:$0x3FBB]  }
0x39: {  	_ = 	snop;
	(pc) =	sbr.ind lr, $3  }
0x3a: {  	_ = 	snop  }
0x3b: {  	_ = 	snop  }
0x3c: {  	p2 =	seq.s32 s10, $0x1;
	s10 =	sld [smem:$0x3FBA]  }
0x3d: {  	_ =	shalt  }
0x3e: {  	_ =	shalt  }
0x3f: {  	_ =	shalt  }
0x40: {  	_ =	shalt  }
0x41: {  	_ =	shalt  }
0x42: {  	_ =	shalt  }
0x43: {  	_ =	shalt  }
0x44: {  	_ =	shalt  }
0x45: {  	_ =	shalt  }
0x46: {  	_ =	shalt  }
0x47: {  	_ =	shalt  }
0x48: {  	_ =	shalt  }
0x49: {  	_ =	shalt  }
0x4a: {  	_ =	shalt  }
0x4b: {  	_ =	shalt  }
0x4c: {  	_ =	shalt  }
0x4d: {  	_ =	shalt  }
0x4e: {  	_ =	shalt  }
0x4f: {  	_ =	shalt  }
0x50: {  	_ =	shalt  }
0x51: {  	_ =	shalt  }
0x52: {  	_ =	shalt  }
0x53: {  	_ =	shalt  }
0x54: {  	_ =	shalt  }
0x55: {  	_ =	shalt  }
0x56: {  	_ =	shalt  }
0x57: {  	_ =	shalt  }
0x58: {  	_ =	shalt  }
0x59: {  	_ =	shalt  }
0x5a: {  	_ =	shalt  }
0x5b: {  	_ =	shalt  }
0x5c: {  	_ =	shalt  }
0x5d: {  	_ =	shalt  }
0x5e: {  	_ =	shalt  }
0x5f: {  	_ =	shalt  }
0x60: {  	_ =	shalt  }
0x61: {  	_ =	shalt  }
0x62: {  	_ =	shalt  }
0x63: {  	_ =	shalt  }
0x64: {  	_ =	shalt  }
0x65: {  	_ =	shalt  }
0x66: {  	_ =	shalt  }
0x67: {  	_ =	shalt  }
0x68: {  	_ =	shalt  }
0x69: {  	_ =	shalt  }
0x6a: {  	_ =	shalt  }
0x6b: {  	_ =	shalt  }
0x6c: {  	_ =	shalt  }
0x6d: {  	_ =	shalt  }
0x6e: {  	_ =	shalt  }
0x6f: {  	_ =	shalt  }
0x70: {  	_ =	shalt  }
0x71: {  	_ =	shalt  }
0x72: {  	_ =	shalt  }
0x73: {  	_ =	shalt  }
0x74: {  	_ =	shalt  }
0x75: {  	_ =	shalt  }
0x76: {  	_ =	shalt  }
0x77: {  	_ =	shalt  }
0x78: {  	_ =	shalt  }
0x79: {  	_ =	shalt  }
0x7a: {  	_ =	shalt  }
0x7b: {  	_ =	shalt  }
0x7c: {  	_ =	shalt  }
0x7d: {  	_ =	shalt  }
0x7e: {  	_ =	shalt  }
0x7f: {  	_ =	shalt  }
0x80: {  	_ =	shalt  }
0x81: {  	_ =	shalt  }
0x82: {  	_ =	shalt  }
0x83: {  	_ =	shalt  }
0x84: {  	_ =	shalt  }
0x85: {  	_ =	shalt  }
0x86: {  	_ =	shalt  }
0x87: {  	_ =	shalt  }
.Lfunc_end0:
.L_simem_size_0:
called_computation.1_lowered:
.L_overlay_start_0:
0x88: {  	s2 =	sld [smem:$0x3FD9]  }
0x89: {  	s3 =	sld [smem:$0x3FFE];
	_ =	sdelay $0x1  }
0x8a: {  	s1 =	srdreg.scid  }
0x8b: {  	s0 =	sand.u32 $0x1, s1  }
0x8c: {  	s17 =	sshll.u32 s0, $0xA;
	s2 =	sadd.s32 s3, s2  }
0x8d: {  	s2 =	sadd.s32 s2, s17  }
0x8e: {  	[smem:$0x3FC6] =	sst s2  }
0x8f: {  	_ = 	snop  }
0x90: {  	s2 =	sld [smem:$0x3FD0];
	(tm) =	ssettm $0x1  }
0x91: {  	s18 =	sld [smem:$0x3FFB];
	_ =	sdelay $0x3  }
0x92: {  	_ =	strace s18  }
0x93: {  	s3 =	sld [smem:$0x3FFC];
	_ =	sdelay $0x3  }
0x94: {  	_ =	strace s3  }
0x95: {  	s3 =	sld [smem:$0x3FFD];
	_ =	sdelay $0x3  }
0x96: {  	_ =	strace s3  }
0x97: {  	_ =	strace $0x8FFFFFFF  }
0x98: {  	s19 =	sld [smem:$0x3FDB];
	_ =	sdelay $0x1  }
0x99: {  	s4 =	simm.s32 $_scs_section_size  }
0x9a: {  	s5 =	simm.s32 $_size__tile_overlayer_lowered;
	s6 =	simm.s32 $_tile_overlayer_lowered  }
0x9b: {  	s22 =	simm.s32 $0x1BFF;
	s21 =	sshll.u32 s6, $0x1;
	s3 =	sadd.s32 s4, s19  }
0x9c: {  	s7 =	simm.s32 $0x0;
	s20 =	sshll.u32 s5, $0x1;
	s5 =	sadd.s32 s21, s3  }
0x9d: {  	[timem:s7], [sflag:s22] =	dma.local [hbm:s5], s20  }
0x9e: {  	_ =	swait.ge [sflag:s22], s20  }
0x9f: {  	s4 =	ssub.s32 $0x0, s20;
	[sflag:s22] =	ssyncset.done $0x0  }
0xa0: {  	[sflag:s22] =	ssyncadd.s32 s4;
	_ =	sdelay $0x1  }
0xa1: {  	s23 =	simm.s32 $0x1B8B  }
0xa2: {  	_ =	swait.ge [sflag:s23], $0x1  }
0xa3: {  	[sflag:s23] =	ssyncset.done $0x0  }
0xa4: {  	s25 =	simm.s32 $0x1B8E;
	s24 =	sld [smem:$0x3FFE];
	[sflag:s23] =	ssyncadd.s32 $0xFFFFFFFF  }
0xa5: {  	s26 =	simm.s32 $execute0_lowered;
	[smem:$0x3FD2] =	sst s25  }
0xa6: {  	s5 =	sshll.u32 s26, $0x1;
	_ =	strace $0x80000046;
	[dreg:$0x1] =	wrdreg $0xFFFFFFFF  }
0xa7: {  	s28 =	simm.s32 $_size_execute0_lowered;
	s3 =	sadd.s32 s3, s5;
	[dreg:$0x0] =	wrdreg $0x0  }
0xa8: {  	s5 =	sshll.u32 s28, $0x1;
	[dreg:$0x2] =	wrdreg s3  }
0xa9: {  	[dreg:$0x3] =	wrdreg s5  }
0xaa: {  	[dreg:$0x4] =	wrdreg $0xC0  }
0xab: {  	_ =	task [dreg:s7], $0x5FFFF  }
0xac: {  	[dreg:$0x1] =	wrdreg $0xFFFFFFFF  }
0xad: {  	[dreg:$0x0] =	wrdreg $0x60  }
0xae: {  	[dreg:$0x2] =	wrdreg s2  }
0xaf: {  	[dreg:$0x3] =	wrdreg s24  }
0xb0: {  	[dreg:$0x4] =	wrdreg $0xCC000  }
0xb1: {  	[dreg:$0x5] =	wrdreg $0x9  }
0xb2: {  	_ =	task.clear_ibuf [dreg:s7], $0x6FFFF;
	_ =	strace $0x90000046  }
0xb3: {  	s29 =	simm.s32 $0x9;
	_ =	strace $0x80000048  }
0xb4: {  	_ =	swait.ge [sflag:s29], $0x1  }
0xb5: {  	[sflag:s29] =	ssyncadd.s32 $0xFFFFFFFF  }
0xb6: {  	_ =	strace $0x90000048  }
0xb7: {  	_ =	sfence  }
0xb8: {  	s30 =	sld [smem:$0x0];
	_ =	sdelay $0x2  }
0xb9: {  	s31 =	sshll.u32 s1, $0xD;
	s1 =	sshrl.u32 s1, $0x2  }
0xba: {  	s3 =	sand.u32 $0x4000, s31;
	s1 =	sadd.s32 s1, s30  }
0xbb: {  	s0 =	sor.u32 s3, s0;
	s1 =	sshll.u32 s1, $0x11  }
0xbc: {  	s0 =	sor.u32 s1, s0  }
0xbd: {  	s0 =	sadd.s32 $0x8F2B, s0  }
0xbe: {  	[sflag:s0] =	ssyncadd.remote.s32 $0x1  }
0xbf: {  	_ =	sfence.sel $0xFFFF  }
0xc0: {  	[dreg:$0x0] =	wrdreg $0xFFFFFFFF;
	(pc) =	sbr.abs _section_cstart, $3  }
0xc1: {  	[dreg:$0x1] =	wrdreg $0xFFFFFFFF  }
0xc2: {  	_ =	task.clear_ibuf [dreg:s7], $0x2FFFF;
	_ =	strace $0x9FFFFFFF  }
0xc3: {  	(tm) =	ssettm $0x7FFFFFFF  }
tec
execute0_lowered:
.L_overlay_start_1:
0x0: {  	(tag) =	ssettag $0x1  }
0x1: {  	s0 =	rddreg [dreg:$0x0]  }
0x2: {  	s2 =	rddreg [dreg:$0x1]  }
0x3: {  	s1 =	rddreg [dreg:$0x2];
	s3 =	simm.s32 $0x0;
	s20 =	srdreg.scid  }
0x4: {  	s5 =	stileid.u32;
	s11 =	simm.s32 $0x6800;
	s12 =	simm.s32 $0x8100  }
0x5: {  	s13 =	simm.s32 $0x9A00;
	s15 =	simm.s32 $0x64;
	s16 =	simm.s32 $0xB300  }
0x6: {  	s17 =	simm.s32 $0x2;
	s18 =	simm.s32 $0x5;
	s19 =	simm.s32 $0x40  }
0x7: {  	s28 =	simm.s32 $0xA;
	s29 =	simm.s32 $0xB;
	s30 =	simm.s32 $0xC  }
0x8: {  	s31 =	simm.s32 $0x0;
	[smem:$0x7FF] =	sst s3;
	s3 =	sand.u32 $0x1, s20  }
0x9: {  	s4 =	sshll.u32 s5, $0x1;
	s6 =	sshll.u32 s5, $0x9;
	s8 =	sadd.s32 $0x800, s2  }
0xa: {  	p0 =	sne.s32 s5, $0x0;
	s20 =	simm.s32 $0x80;
	_ =	strace $0x80000047  }
0xb: {  	s7 =	sshll.u32 s3, $0x8;
	[dreg:$0x6] =	wrdreg s8;
	s4 =	sor.u32 s3, s4  }
0xc: {  	s3 =	ssub.s32 $0x2, s3;
	s6 =	sor.u32 s7, s6;
	s21 =	smul.u32 $0xD00, s4  }
0xd: {  	s4 =	sadd.s32 $0x1000, s2;
	s9 =	sshrl.u32 s3, $0x1;
	s2 =	sadd.s32 $0x801000, s2  }
0xe: {  	s22 =	sshrl.u32 s6, $0x1;
	s6 =	sor.u32 $0x2, s6;
	s3 =	ssub.s32 s3, s9  }
0xf: {  	s23 =	smul.u32 $0xC80, s22;
	s6 =	sshrl.u32 s6, $0x1;
	s0 =	sadd.s32 s0, s21  }
0x10: {  	s26 =	smax.u32 s3, $0x1;
	s21 =	simm.s32 $0x3;
	s22 =	simm.s32 $0x6  }
0x11: {  	s10 =	smul.u32 $0xC80, s6;
	[dreg:$0x7] =	wrdreg s0;
	s6 =	sadd.s32 $0x1900, s1  }
0x12: {  	[dreg:$0x8] =	wrdreg s26;
	s0 =	sshrl.u32 @!p0 s1, $0x3;
	s26 =	simm.s32 $0x9  }
0x13: {  	s24 =	sadd.s32 s23, s2;
	[dreg:$0x9] =	wrdreg s0;
	s7 =	sadd.s32 s10, s2  }
0x14: {  	s23 =	simm.s32 $0x4;
	[dreg:$0x4] =	wrdreg s24;
	s25 =	sadd.s32 $0x640, s7  }
0x15: {  	s24 =	simm.s32 $0x7;
	[dreg:$0x5] =	wrdreg s25;
	s25 =	simm.s32 $0x8  }
.LBB2_1:
0x16: {  	s2 =	rddreg [dreg:$0x6]  }
0x17: {  	s0 =	simm.s32 @!p0 $0x1C0D;
	s3 =	rddreg [dreg:$0x9]  }
0x18: {  	[spmem:s3], [sflag:s0] =	dma.local @!p0 [hbm:s2], $0x640  }
0x19: {  	s0 =	simm.s32 @!p0 $0xD  }
0x1a: {  	_ =	swait.ge @!p0 [sflag:s0], $0x640  }
0x1b: {  	s9 =	simm.s32 $0x0;
	[sflag:s0] =	ssyncset.done @!p0 $0x0  }
0x1c: {  	s14 =	simm.s32 $0xD;
	s10 =	rddreg [dreg:$0x7];
	[sflag:s0] =	ssyncadd.s32 @!p0 $0xFFFFF9C0  }
0x1d: {  	[tilespmem:s9], [sflag:$0xD] =	stream.linear.gather [hbm4b:s10+s9], $0x6800, $0x38;
	[tilespmem:$0xCF20] =	vst v63  }
0x1e: {  	_ =	swait.ge [sflag:s14], $0x6800  }
0x1f: {  	[sflag:s14] =	ssyncset.done $0x0  }
0x20: {  	[sflag:s14] =	ssyncadd.s32 $0xFFFF9800  }
0x21: {  	[bflag:$0x0] =	sbarrier.arrive $0xFFFF  }
0x22: {  	[tilespmem:s11], [sflag:$0x1] =	stream.linear.gather [spmem:s1], $0x1900, $0x38;
	[tilespmem:$0xCF20] =	vst v63  }
0x23: {  	_ = 	snop  }
0x24: {  	[tilespmem:s12], [sflag:$0x2] =	stream.linear.gather [spmem:s6], $0x1900, $0x38;
	[tilespmem:$0xCF20] =	vst v63  }
0x25: {  	s3 =	simm.s32 $0x1  }
0x26: {  	[tilespmem:s13], [sflag:$0x3] =	stream.linear.gather [spmem:s1], $0x1900, $0x38;
	[tilespmem:$0xCF20] =	vst v63  }
0x27: {  	p1 =	por $0x1, $0x1;
	_ =	swait.ge [sflag:s3], $0x1900  }
0x28: {  	p1 =	por p1, p1;
	[sflag:s3] =	ssyncset.done $0x0  }
0x29: {  	s0 =	simm.s32 @!p1 $0xC;
	[sflag:s3] =	ssyncadd.s32 $0xFFFFE700  }
0x2a: {  	[tilespmem:s11], [sflag:$0x5] =	stream.indirect.gather.add.f32 [hbm:s4], $0x40, s9, s15, $0xb8;
	[tilespmem:$0xCF20] =	vst v63  }
0x2b: {  	_ =	swait.ge @!p1 [sflag:s0], $0x1900  }
0x2c: {  	[sflag:s0] =	ssyncset.done @!p1 $0x0  }
0x2d: {  	[sflag:s0] =	ssyncadd.s32 @!p1 $0xFFFFE700  }
0x2e: {  	[tilespmem:s16], [sflag:$0x4] =	stream.linear.gather [spmem:s6], $0x1900, $0x38;
	[tilespmem:$0xCF20] =	vst v63  }
0x2f: {  	_ =	swait.ge [sflag:s17], $0x1900  }
0x30: {  	[sflag:s17] =	ssyncset.done $0x0  }
0x31: {  	s5 =	simm.s32 $0x68;
	[sflag:s17] =	ssyncadd.s32 $0xFFFFE700  }
0x32: {  	[tilespmem:s12], [sflag:$0x6] =	stream.indirect.gather.add.f32 [hbm:s4], $0x40, s5, s15, $0xb8;
	[tilespmem:$0xCF20] =	vst v63  }
0x33: {  	_ =	swait.ge [sflag:s18], $0x1900  }
0x34: {  	p1 =	por $0x0, $0x0;
	s8 =	rddreg [dreg:$0x4];
	[sflag:s18] =	ssyncset.done $0x0  }
0x35: {  	s2 =	simm.s32 @!p1 $0x9;
	[sflag:s18] =	ssyncadd.s32 $0xFFFFE700;
	s0 =	sadd.s32 $0x0, s8  }
0x36: {  	[hbm4b:s0+s19] =	stream.strided.scatter [tilespmem:s11], [sflag:$0x9], $0x1900, s20, s19, $0x38;
	[tilespmem:$0xCF20] =	vst v63  }
0x37: {  	_ =	swait.ge @!p1 [sflag:s2], $0x1900  }
0x38: {  	[sflag:s2] =	ssyncset.done @!p1 $0x0  }
0x39: {  	s3 =	simm.s32 @!p1 $0x6800;
	[sflag:s2] =	ssyncadd.s32 @!p1 $0xFFFFE700  }
0x3a: {  	[tilespmem:s3], [sflag:$0x1] =	stream.linear.gather @!p1 [spmem:s1], $0x1900, $0x38;
	[tilespmem:$0xCF20] =	vst v63  }
0x3b: {  	_ =	swait.ge [sflag:s21], $0x1900  }
0x3c: {  	[sflag:s21] =	ssyncset.done $0x0  }
0x3d: {  	s9 =	simm.s32 $0xD0;
	[sflag:s21] =	ssyncadd.s32 $0xFFFFE700  }
0x3e: {  	[tilespmem:s13], [sflag:$0x7] =	stream.indirect.gather.add.f32 [hbm:s4], $0x40, s9, s15, $0xb8;
	[tilespmem:$0xCF20] =	vst v63  }
0x3f: {  	_ =	swait.ge [sflag:s22], $0x1900  }
0x40: {  	[sflag:s22] =	ssyncset.done $0x0  }
0x41: {  	s0 =	sadd.s32 $0x640, s0;
	s2 =	simm.s32 @!p1 $0xA;
	[sflag:s22] =	ssyncadd.s32 $0xFFFFE700  }
0x42: {  	[hbm4b:s0+s19] =	stream.strided.scatter [tilespmem:s12], [sflag:$0xA], $0x1900, s20, s19, $0x38;
	[tilespmem:$0xCF20] =	vst v63  }
0x43: {  	_ =	swait.ge @!p1 [sflag:s2], $0x1900  }
0x44: {  	[sflag:s2] =	ssyncset.done @!p1 $0x0  }
0x45: {  	s0 =	simm.s32 @!p1 $0x8100;
	[sflag:s2] =	ssyncadd.s32 @!p1 $0xFFFFE700  }
0x46: {  	[tilespmem:s0], [sflag:$0x2] =	stream.linear.gather @!p1 [spmem:s6], $0x1900, $0x38;
	[tilespmem:$0xCF20] =	vst v63  }
0x47: {  	_ =	swait.ge [sflag:s23], $0x1900  }
0x48: {  	[sflag:s23] =	ssyncset.done $0x0  }
0x49: {  	s10 =	simm.s32 $0x138;
	[sflag:s23] =	ssyncadd.s32 $0xFFFFE700  }
0x4a: {  	[tilespmem:s16], [sflag:$0x8] =	stream.indirect.gather.add.f32 [hbm:s4], $0x40, s10, s15, $0xb8;
	[tilespmem:$0xCF20] =	vst v63  }
0x4b: {  	_ =	swait.ge [sflag:s24], $0x1900  }
0x4c: {  	[sflag:s24] =	ssyncset.done $0x0  }
0x4d: {  	s14 =	sadd.s32 $0x0, s7;
	s2 =	simm.s32 @!p1 $0xB;
	[sflag:s24] =	ssyncadd.s32 $0xFFFFE700  }
0x4e: {  	[hbm4b:s14+s19] =	stream.strided.scatter [tilespmem:s13], [sflag:$0xB], $0x1900, s20, s19, $0x38;
	[tilespmem:$0xCF20] =	vst v63  }
0x4f: {  	_ =	swait.ge @!p1 [sflag:s2], $0x1900  }
0x50: {  	[sflag:s2] =	ssyncset.done @!p1 $0x0  }
0x51: {  	s0 =	simm.s32 @!p1 $0x9A00;
	[sflag:s2] =	ssyncadd.s32 @!p1 $0xFFFFE700;
	s2 =	simm.s32 @!p1 $0x1  }
0x52: {  	[tilespmem:s0], [sflag:$0x3] =	stream.linear.gather @!p1 [spmem:s1], $0x1900, $0x38;
	[tilespmem:$0xCF20] =	vst v63  }
0x53: {  	_ =	swait.ge @!p1 [sflag:s2], $0x1900  }
0x54: {  	p6 =	por $0x0, $0x0;
	s5 =	simm.s32 @!p1 $0x64;
	[sflag:s2] =	ssyncset.done @!p1 $0x0  }
0x55: {  	s0 =	simm.s32 @!p1 $0x1A0;
	[sflag:s2] =	ssyncadd.s32 @!p1 $0xFFFFE700;
	s2 =	simm.s32 $0x270  }
0x56: {  	[tilespmem:s3], [sflag:$0x5] =	stream.indirect.gather.add.f32 @!p1 [hbm:s4], $0x40, s0, s5, $0xb8;
	[tilespmem:$0xCF20] =	vst v63  }
0x57: {  	s0 =	simm.s32 $0x1900;
	s3 =	simm.s32 $0x3200;
	_ =	swait.ge [sflag:s25], $0x1900  }
0x58: {  	p1 =	por p6, p6;
	s5 =	simm.s32 $0x0;
	[sflag:s25] =	ssyncset.done $0x0  }
0x59: {  	s8 =	simm.s32 @!p1 $0xC;
	s9 =	rddreg [dreg:$0x5];
	[sflag:s25] =	ssyncadd.s32 $0xFFFFE700  }
.LBB2_2:
0x5a: {  	s9 =	sadd.s32 s5, s9  }
0x5b: {  	[hbm4b:s9+s19] =	stream.strided.scatter [tilespmem:s16], [sflag:$0xC], $0x1900, s20, s19, $0x38;
	[tilespmem:$0xCF20] =	vst v63  }
0x5c: {  	_ =	swait.ge @!p1 [sflag:s8], $0x1900  }
0x5d: {  	[sflag:s8] =	ssyncset.done @!p1 $0x0  }
0x5e: {  	[sflag:s8] =	ssyncadd.s32 @!p1 $0xFFFFE700  }
0x5f: {  	[tilespmem:s16], [sflag:$0x4] =	stream.linear.gather [spmem:s6], $0x1900, $0x38;
	[tilespmem:$0xCF20] =	vst v63  }
0x60: {  	_ =	swait.ge [sflag:s17], $0x1900  }
0x61: {  	[sflag:s17] =	ssyncset.done $0x0  }
0x62: {  	p3 =	seq.s32 s3, $0x0;
	s9 =	sadd.s32 $0xFFFFFF98, s2;
	[sflag:s17] =	ssyncadd.s32 $0xFFFFE700  }
0x63: {  	[tilespmem:s12], [sflag:$0x6] =	stream.indirect.gather.add.f32 [hbm:s4], $0x40, s9, s15, $0xb8;
	[tilespmem:$0xCF20] =	vst v63  }
0x64: {  	s5 =	smov.u32 s0;
	p1 =	por p3, p3;
	_ =	swait.ge [sflag:s18], $0x1900  }
0x65: {  	p3 =	seq.s32 s5, $0x62700;
	s10 =	rddreg [dreg:$0x4];
	[sflag:s18] =	ssyncset.done $0x0  }
0x66: {  	[sflag:s18] =	ssyncadd.s32 $0xFFFFE700;
	s14 =	sadd.s32 s5, s10;
	s10 =	simm.s32 @!p3 $0x9  }
0x67: {  	[hbm4b:s14+s19] =	stream.strided.scatter [tilespmem:s11], [sflag:$0x9], $0x1900, s20, s19, $0x38;
	[tilespmem:$0xCF20] =	vst v63  }
0x68: {  	_ =	swait.ge @!p3 [sflag:s10], $0x1900  }
0x69: {  	[sflag:s10] =	ssyncset.done @!p3 $0x0  }
0x6a: {  	s8 =	simm.s32 @!p3 $0x6800;
	[sflag:s10] =	ssyncadd.s32 @!p3 $0xFFFFE700  }
0x6b: {  	[tilespmem:s8], [sflag:$0x1] =	stream.linear.gather @!p3 [spmem:s1], $0x1900, $0x38;
	[tilespmem:$0xCF20] =	vst v63  }
0x6c: {  	_ =	swait.ge [sflag:s21], $0x1900  }
0x6d: {  	[sflag:s21] =	ssyncset.done $0x0  }
0x6e: {  	[sflag:s21] =	ssyncadd.s32 $0xFFFFE700  }
0x6f: {  	[tilespmem:s13], [sflag:$0x7] =	stream.indirect.gather.add.f32 [hbm:s4], $0x40, s2, s15, $0xb8;
	[tilespmem:$0xCF20] =	vst v63  }
0x70: {  	_ =	swait.ge [sflag:s22], $0x1900  }
0x71: {  	[sflag:s22] =	ssyncset.done $0x0  }
0x72: {  	s9 =	sadd.s32 $0x640, s14;
	s10 =	simm.s32 @!p3 $0xA;
	[sflag:s22] =	ssyncadd.s32 $0xFFFFE700  }
0x73: {  	[hbm4b:s9+s19] =	stream.strided.scatter [tilespmem:s12], [sflag:$0xA], $0x1900, s20, s19, $0x38;
	[tilespmem:$0xCF20] =	vst v63  }
0x74: {  	_ =	swait.ge @!p3 [sflag:s10], $0x1900  }
0x75: {  	[sflag:s10] =	ssyncset.done @!p3 $0x0  }
0x76: {  	s9 =	simm.s32 @!p3 $0x8100;
	[sflag:s10] =	ssyncadd.s32 @!p3 $0xFFFFE700  }
0x77: {  	[tilespmem:s9], [sflag:$0x2] =	stream.linear.gather @!p3 [spmem:s6], $0x1900, $0x38;
	[tilespmem:$0xCF20] =	vst v63  }
0x78: {  	_ =	swait.ge [sflag:s23], $0x1900  }
0x79: {  	[sflag:s23] =	ssyncset.done $0x0  }
0x7a: {  	s10 =	sadd.s32 $0x68, s2;
	[sflag:s23] =	ssyncadd.s32 $0xFFFFE700  }
0x7b: {  	[tilespmem:s16], [sflag:$0x8] =	stream.indirect.gather.add.f32 [hbm:s4], $0x40, s10, s15, $0xb8;
	[tilespmem:$0xCF20] =	vst v63  }
0x7c: {  	_ =	swait.ge [sflag:s24], $0x1900  }
0x7d: {  	[sflag:s24] =	ssyncset.done $0x0  }
0x7e: {  	s14 =	sadd.s32 s5, s7;
	s10 =	simm.s32 @!p3 $0xB;
	[sflag:s24] =	ssyncadd.s32 $0xFFFFE700  }
0x7f: {  	[hbm4b:s14+s19] =	stream.strided.scatter [tilespmem:s13], [sflag:$0xB], $0x1900, s20, s19, $0x38;
	[tilespmem:$0xCF20] =	vst v63  }
0x80: {  	_ =	swait.ge @!p3 [sflag:s10], $0x1900  }
0x81: {  	[sflag:s10] =	ssyncset.done @!p3 $0x0  }
0x82: {  	s9 =	simm.s32 @!p3 $0x9A00;
	[sflag:s10] =	ssyncadd.s32 @!p3 $0xFFFFE700;
	s10 =	simm.s32 @!p3 $0x1  }
0x83: {  	[tilespmem:s9], [sflag:$0x3] =	stream.linear.gather @!p3 [spmem:s1], $0x1900, $0x38;
	[tilespmem:$0xCF20] =	vst v63  }
0x84: {  	s0 =	smov.u32 s3;
	s3 =	sadd.s32 $0x1900, s3;
	_ =	swait.ge @!p3 [sflag:s10], $0x1900  }
0x85: {  	p2 =	sne.s32 s3, $0x64000;
	s14 =	simm.s32 @!p3 $0x64;
	[sflag:s10] =	ssyncset.done @!p3 $0x0  }
.Ltmp0:
0x86: {  	s9 =	sadd.s32 @!p3 $0xD0, s2;
	[sflag:s10] =	ssyncadd.s32 @!p3 $0xFFFFE700;
	(pc) =	sbr.rel @p2 .LBB2_2-.Ltmp0, $4  }
0x87: {  	[tilespmem:s8], [sflag:$0x5] =	stream.indirect.gather.add.f32 @!p3 [hbm:s4], $0x40, s9, s14, $0xb8;
	[tilespmem:$0xCF20] =	vst v63  }
0x88: {  	_ =	swait.ge [sflag:s25], $0x1900  }
0x89: {  	s2 =	sadd.s32 $0x1A0, s2;
	[sflag:s25] =	ssyncset.done $0x0  }
0x8a: {  	s8 =	simm.s32 @!p1 $0xC;
	s9 =	rddreg [dreg:$0x5];
	[sflag:s25] =	ssyncadd.s32 $0xFFFFE700  }
0x8b: {  	s3 =	sadd.s32 s5, s9  }
0x8c: {  	[hbm4b:s3+s19] =	stream.strided.scatter [tilespmem:s16], [sflag:$0xC], $0x1900, s20, s19, $0x38;
	[tilespmem:$0xCF20] =	vst v63  }
0x8d: {  	_ =	swait.ge @!p1 [sflag:s8], $0x1900  }
0x8e: {  	[sflag:s8] =	ssyncset.done @!p1 $0x0  }
0x8f: {  	[sflag:s8] =	ssyncadd.s32 @!p1 $0xFFFFE700  }
0x90: {  	[tilespmem:s16], [sflag:$0x4] =	stream.linear.gather [spmem:s6], $0x1900, $0x38;
	[tilespmem:$0xCF20] =	vst v63  }
0x91: {  	_ =	swait.ge [sflag:s17], $0x1900  }
0x92: {  	[sflag:s17] =	ssyncset.done $0x0  }
0x93: {  	s9 =	sadd.s32 $0xFFFFFF98, s2;
	[sflag:s17] =	ssyncadd.s32 $0xFFFFE700  }
0x94: {  	[tilespmem:s12], [sflag:$0x6] =	stream.indirect.gather.add.f32 [hbm:s4], $0x40, s9, s15, $0xb8;
	[tilespmem:$0xCF20] =	vst v63  }
0x95: {  	_ =	swait.ge [sflag:s18], $0x1900  }
0x96: {  	p1 =	seq.s32 s0, $0x62700;
	s10 =	rddreg [dreg:$0x4];
	[sflag:s18] =	ssyncset.done $0x0  }
0x97: {  	s5 =	simm.s32 @!p1 $0x9;
	[sflag:s18] =	ssyncadd.s32 $0xFFFFE700;
	s3 =	sadd.s32 s0, s10  }
0x98: {  	[hbm4b:s3+s19] =	stream.strided.scatter [tilespmem:s11], [sflag:$0x9], $0x1900, s20, s19, $0x38;
	[tilespmem:$0xCF20] =	vst v63  }
0x99: {  	_ =	swait.ge @!p1 [sflag:s5], $0x1900  }
0x9a: {  	[sflag:s5] =	ssyncset.done @!p1 $0x0  }
0x9b: {  	[sflag:s5] =	ssyncadd.s32 @!p1 $0xFFFFE700;
	s5 =	simm.s32 @!p1 $0x6800  }
0x9c: {  	[tilespmem:s5], [sflag:$0x1] =	stream.linear.gather @!p1 [spmem:s1], $0x1900, $0x38;
	[tilespmem:$0xCF20] =	vst v63  }
0x9d: {  	_ =	swait.ge [sflag:s21], $0x1900  }
0x9e: {  	[sflag:s21] =	ssyncset.done $0x0  }
0x9f: {  	[sflag:s21] =	ssyncadd.s32 $0xFFFFE700  }
0xa0: {  	[tilespmem:s13], [sflag:$0x7] =	stream.indirect.gather.add.f32 [hbm:s4], $0x40, s2, s15, $0xb8;
	[tilespmem:$0xCF20] =	vst v63  }
0xa1: {  	_ =	swait.ge [sflag:s22], $0x1900  }
0xa2: {  	[sflag:s22] =	ssyncset.done $0x0  }
0xa3: {  	s3 =	sadd.s32 $0x640, s3;
	[sflag:s22] =	ssyncadd.s32 $0xFFFFE700  }
0xa4: {  	[hbm4b:s3+s19] =	stream.strided.scatter [tilespmem:s12], [sflag:$0xA], $0x1900, s20, s19, $0x38;
	[tilespmem:$0xCF20] =	vst v63  }
0xa5: {  	s3 =	simm.s32 @!p1 $0xA  }
0xa6: {  	_ =	swait.ge @!p1 [sflag:s3], $0x1900  }
0xa7: {  	[sflag:s3] =	ssyncset.done @!p1 $0x0  }
0xa8: {  	[sflag:s3] =	ssyncadd.s32 @!p1 $0xFFFFE700;
	s3 =	simm.s32 @!p1 $0x8100  }
0xa9: {  	[tilespmem:s3], [sflag:$0x2] =	stream.linear.gather @!p1 [spmem:s6], $0x1900, $0x38;
	[tilespmem:$0xCF20] =	vst v63  }
0xaa: {  	_ =	swait.ge [sflag:s23], $0x1900  }
0xab: {  	[sflag:s23] =	ssyncset.done $0x0  }
0xac: {  	s14 =	sadd.s32 $0x68, s2;
	[sflag:s23] =	ssyncadd.s32 $0xFFFFE700  }
0xad: {  	[tilespmem:s16], [sflag:$0x8] =	stream.indirect.gather.add.f32 [hbm:s4], $0x40, s14, s15, $0xb8;
	[tilespmem:$0xCF20] =	vst v63  }
0xae: {  	_ =	swait.ge [sflag:s24], $0x1900  }
0xaf: {  	[sflag:s24] =	ssyncset.done $0x0  }
0xb0: {  	s8 =	sadd.s32 s0, s7;
	s3 =	simm.s32 @!p1 $0xB;
	[sflag:s24] =	ssyncadd.s32 $0xFFFFE700  }
0xb1: {  	[hbm4b:s8+s19] =	stream.strided.scatter [tilespmem:s13], [sflag:$0xB], $0x1900, s20, s19, $0x38;
	[tilespmem:$0xCF20] =	vst v63  }
0xb2: {  	_ =	swait.ge @!p1 [sflag:s3], $0x1900  }
0xb3: {  	[sflag:s3] =	ssyncset.done @!p1 $0x0  }
0xb4: {  	[sflag:s3] =	ssyncadd.s32 @!p1 $0xFFFFE700;
	s3 =	simm.s32 @!p1 $0x9A00  }
0xb5: {  	[tilespmem:s3], [sflag:$0x3] =	stream.linear.gather @!p1 [spmem:s1], $0x1900, $0x38;
	[tilespmem:$0xCF20] =	vst v63  }
0xb6: {  	s3 =	simm.s32 @!p1 $0x1  }
0xb7: {  	_ =	swait.ge @!p1 [sflag:s3], $0x1900  }
0xb8: {  	[sflag:s3] =	ssyncset.done @!p1 $0x0  }
0xb9: {  	s2 =	sadd.s32 @!p1 $0xD0, s2;
	[sflag:s3] =	ssyncadd.s32 @!p1 $0xFFFFE700;
	s3 =	simm.s32 @!p1 $0x64  }
0xba: {  	[tilespmem:s5], [sflag:$0x5] =	stream.indirect.gather.add.f32 @!p1 [hbm:s4], $0x40, s2, s3, $0xb8;
	[tilespmem:$0xCF20] =	vst v63  }
0xbb: {  	_ =	swait.ge [sflag:s25], $0x1900  }
0xbc: {  	s9 =	rddreg [dreg:$0x5];
	[sflag:s25] =	ssyncset.done $0x0  }
0xbd: {  	s10 =	sadd.s32 s0, s9;
	[sflag:s25] =	ssyncadd.s32 $0xFFFFE700  }
0xbe: {  	[hbm4b:s10+s19] =	stream.strided.scatter [tilespmem:s16], [sflag:$0xC], $0x1900, s20, s19, $0x38;
	[tilespmem:$0xCF20] =	vst v63  }
0xbf: {  	_ =	swait.ge [sflag:s26], $0x1900  }
0xc0: {  	[sflag:s26] =	ssyncset.done $0x0  }
0xc1: {  	[sflag:s26] =	ssyncadd.s32 $0xFFFFE700  }
0xc2: {  	_ =	swait.ge [sflag:s28], $0x1900  }
0xc3: {  	[sflag:s28] =	ssyncset.done $0x0  }
0xc4: {  	[sflag:s28] =	ssyncadd.s32 $0xFFFFE700  }
0xc5: {  	_ =	swait.ge [sflag:s29], $0x1900  }
0xc6: {  	[sflag:s29] =	ssyncset.done $0x0  }
0xc7: {  	[sflag:s29] =	ssyncadd.s32 $0xFFFFE700  }
0xc8: {  	_ =	swait.ge [sflag:s30], $0x1900  }
0xc9: {  	s31 =	sadd.s32 $0x1, s31;
	s14 =	rddreg [dreg:$0x8]  }
0xca: {  	p1 =	sne.s32 s31, s14  }
.Ltmp1:
0xcb: {  	_ = 	snop;
	(pc) =	sbr.rel @p1 .LBB2_1-.Ltmp1, $3  }
0xcc: {  	_ =	sdelay $0x1  }
0xcd: {  	[sflag:s30] =	ssyncset.done $0x0  }
0xce: {  	[sflag:s30] =	ssyncadd.s32 $0xFFFFE700  }
0xcf: {  	_ =	sfence.sel $0x180000  }
0xd0: {  	[bflag:$0x0] =	sbarrier.arrive $0xFFFF  }
0xd1: {  	_ =	strace $0x90000047  }
0xd2: {  	[bflag:$0x2] =	sbarrier.arrive $0xFFFF  }
0xd3: {  	s0 =	rddreg [dreg:$0x3]  }
0xd4: {  	s0 =	sadd.s32 @!p0 $0x100000, s0  }
0xd5: {  	[sflag:s0] =	ssyncadd.tile.s32 @!p0 $0x1;
	_ =	shalt  }
.Lfunc_end2:
_tile_overlayer_lowered:
.L_overlay_start_2:
0xd6: {  	(tag) =	ssettag $0x2  }
0xd7: {  	s0 =	rddreg [dreg:$0x0];
	s2 =	stileid.u32  }
0xd8: {  	s1 =	rddreg [dreg:$0x1];
	p0 =	sne.s32 s2, $0x0  }
0xd9: {  	s3 =	rddreg [dreg:$0x2];
	[bflag:$0x3] =	sbarrier.arrive $0xFFFF;
	s2 =	simm.s32 @!p0 $0x1C0D  }
0xda: {  	[timem:s3], [sflag:s2] =	dma.local @!p0 [hbm:s0], s1  }
0xdb: {  	s0 =	simm.s32 @!p0 $0xD  }
0xdc: {  	_ =	swait.ge @!p0 [sflag:s0], s1  }
0xdd: {  	s1 =	ssub.s32 @!p0 $0x0, s1;
	[sflag:s0] =	ssyncset.done @!p0 $0x0  }
0xde: {  	[sflag:s0] =	ssyncadd.s32 @!p0 s1  }
0xdf: {  	[bflag:$0x3] =	sbarrier.arrive $0xFFFF  }
0xe0: {  	_ =	shalt  }

// kernel: sparse-core-data-format-call.cloned.1.call-start
scs
called_computation_lowered:
.L_overlay_start_0:
0x0: {  	s2 =	sld [smem:$0x3FD9]  }
0x1: {  	s3 =	sld [smem:$0x3FFE];
	_ =	sdelay $0x1  }
0x2: {  	s1 =	srdreg.scid  }
0x3: {  	s0 =	sand.u32 $0x1, s1  }
0x4: {  	s18 =	sshll.u32 s0, $0xA;
	s2 =	sadd.s32 s3, s2  }
0x5: {  	s2 =	sadd.s32 s2, s18  }
0x6: {  	[smem:$0x3FC6] =	sst s2  }
0x7: {  	_ = 	snop  }
0x8: {  	s2 =	sld [smem:$0x3FD0];
	(tm) =	ssettm $0x1  }
0x9: {  	s19 =	sld [smem:$0x3FFB];
	_ =	sdelay $0x3  }
0xa: {  	_ =	strace s19  }
0xb: {  	s3 =	sld [smem:$0x3FFC];
	_ =	sdelay $0x3  }
0xc: {  	_ =	strace s3  }
0xd: {  	s3 =	sld [smem:$0x3FFD];
	_ =	sdelay $0x3  }
0xe: {  	_ =	strace s3  }
0xf: {  	_ =	strace $0x8FFFFFFF  }
0x10: {  	s20 =	sld [smem:$0x3FDB];
	_ =	sdelay $0x1  }
0x11: {  	s4 =	simm.s32 $_scs_section_size  }
0x12: {  	s5 =	simm.s32 $_size__tile_overlayer_lowered;
	s6 =	simm.s32 $_tile_overlayer_lowered  }
0x13: {  	s23 =	simm.s32 $0x1BFF;
	s22 =	sshll.u32 s6, $0x1;
	s3 =	sadd.s32 s4, s20  }
0x14: {  	s7 =	simm.s32 $0x0;
	s21 =	sshll.u32 s5, $0x1;
	s5 =	sadd.s32 s22, s3  }
0x15: {  	[timem:s7], [sflag:s23] =	dma.local [hbm:s5], s21  }
0x16: {  	_ =	swait.ge [sflag:s23], s21  }
0x17: {  	s4 =	ssub.s32 $0x0, s21;
	[sflag:s23] =	ssyncset.done $0x0  }
0x18: {  	[sflag:s23] =	ssyncadd.s32 s4;
	_ =	sdelay $0x1  }
0x19: {  	s24 =	simm.s32 $0x1B8B  }
0x1a: {  	_ =	swait.ge [sflag:s24], $0x1  }
0x1b: {  	[sflag:s24] =	ssyncset.done $0x0  }
0x1c: {  	s26 =	simm.s32 $0x1B8E;
	s25 =	sld [smem:$0x3FFE];
	[sflag:s24] =	ssyncadd.s32 $0xFFFFFFFF  }
0x1d: {  	s27 =	simm.s32 $execute0_lowered;
	[smem:$0x3FD2] =	sst s26  }
0x1e: {  	s5 =	sshll.u32 s27, $0x1;
	_ =	strace $0x80000049;
	[dreg:$0x1] =	wrdreg $0xFFFFFFFF  }
0x1f: {  	s28 =	simm.s32 $_size_execute0_lowered;
	s3 =	sadd.s32 s3, s5;
	[dreg:$0x0] =	wrdreg $0x0  }
0x20: {  	s5 =	sshll.u32 s28, $0x1;
	[dreg:$0x2] =	wrdreg s3  }
0x21: {  	[dreg:$0x3] =	wrdreg s5  }
0x22: {  	[dreg:$0x4] =	wrdreg $0xC0  }
0x23: {  	_ =	task [dreg:s7], $0x5FFFF  }
0x24: {  	[dreg:$0x1] =	wrdreg $0xFFFFFFFF  }
0x25: {  	[dreg:$0x0] =	wrdreg $0x60  }
0x26: {  	[dreg:$0x2] =	wrdreg s25  }
0x27: {  	[dreg:$0x3] =	wrdreg s2  }
0x28: {  	[dreg:$0x4] =	wrdreg $0x9  }
0x29: {  	_ =	task.clear_ibuf [dreg:s7], $0x5FFFF;
	_ =	strace $0x90000049  }
0x2a: {  	s29 =	simm.s32 $0x9;
	_ =	strace $0x8000004B  }
0x2b: {  	_ =	swait.ge [sflag:s29], $0x1  }
0x2c: {  	[sflag:s29] =	ssyncadd.s32 $0xFFFFFFFF  }
0x2d: {  	_ =	strace $0x9000004B  }
0x2e: {  	_ =	sfence  }
0x2f: {  	s30 =	sld [smem:$0x0];
	_ =	sdelay $0x2  }
0x30: {  	s31 =	sshll.u32 s1, $0xD;
	s1 =	sshrl.u32 s1, $0x2  }
0x31: {  	s3 =	sand.u32 $0x4000, s31;
	s1 =	sadd.s32 s1, s30  }
0x32: {  	s0 =	sor.u32 s3, s0;
	s1 =	sshll.u32 s1, $0x11  }
0x33: {  	s0 =	sor.u32 s1, s0  }
0x34: {  	s0 =	sadd.s32 $0x8F2B, s0  }
0x35: {  	[sflag:s0] =	ssyncadd.remote.s32 $0x1  }
0x36: {  	_ =	sfence.sel $0xFFFF  }
0x37: {  	[dreg:$0x0] =	wrdreg $0xFFFFFFFF;
	(pc) =	sbr.abs _section_cstart, $3  }
0x38: {  	[dreg:$0x1] =	wrdreg $0xFFFFFFFF  }
0x39: {  	_ =	task.clear_ibuf [dreg:s7], $0x2FFFF;
	_ =	strace $0x9FFFFFFF  }
0x3a: {  	(tm) =	ssettm $0x7FFFFFFF  }
0x3b: {  	_ =	shalt  }
tec
execute0_lowered:
.L_overlay_start_1:
0x0: {  	(tag) =	ssettag $0x1  }
0x1: {  	s0 =	srdreg.scid  }
0x2: {  	s1 =	sshll.u32 s0, $0x4  }
0x3: {  	s0 =	stileid.u32;
	s1 =	sand.u32 $0x10, s1  }
0x4: {  	s1 =	sor.u32 s0, s1  }
0x5: {  	s6 =	rddreg [dreg:$0x0];
	s4 =	simm.s32 $0x1;
	s2 =	sshll.u32 s1, $0x7  }
0x6: {  	s7 =	simm.s32 $0x2;
	s12 =	simm.s32 $0x0;
	s1 =	ssub.s32 $0x1000, s2  }
0x7: {  	s8 =	simm.s32 $0x8000;
	s13 =	simm.s32 $0x0;
	s3 =	sand.u32 $0xF80, s1  }
0x8: {  	s9 =	simm.s32 $0x0;
	s5 =	sshrl.u32 s1, $0xC;
	p0 =	sne.s32 s3, $0x0  }
.Ltmp0:
0x9: {  	s1 =	rddreg [dreg:$0x2];
	s4 =	simm.s32 @!p0 $0x0;
	(pc) =	sbr.rel .LBB1_1-.Ltmp0, $4  }
0xa: {  	s11 =	simm.s32 $0x0;
	s3 =	rddreg [dreg:$0x1];
	s5 =	sadd.s32 s4, s5  }
0xb: {  	_ =	strace $0x8000004A;
	s4 =	simm.s32 $0x1;
	s5 =	smul.u32 $0xC8, s5  }
0xc: {  	s6 =	sadd.s32 $0x801000, s6;
	s10 =	smov.u32 s2;
	[sflag:s4] =	ssyncpa.u1 $0x0  }
0xd: {  	p0 =	por $0x0, $0x0;
	[sflag:s7] =	ssyncpa.u1 $0x0;
	s7 =	sor.u32 $0x1, s5  }
.LBB1_4:
0xe: {  	s16 =	sshll.u32 s13, $0x3;
	s17 =	sand.u32 $0x78, s13  }
0xf: {  	s30 =	sand.u32 $0x7E00, s13;
	s12 =	sshll.u32 s12, $0xF;
	s16 =	sand.u32 $0xC00, s16  }
0x10: {  	[tilespmem:s15+$0x810 ss:$0x81] =	vst.msk $0xffff, v2;
	s31 =	sand.u32 $0x7, s13;
	s16 =	sor.u32 s17, s16;
	s17 =	sadd.s32 s3, s30  }
0x11: {  	[tilespmem:s15+$0x1020 ss:$0x81] =	vst.msk $0xffff, v0;
	s13 =	sshll.u32 s31, $0x12;
	s12 =	sadd.s32 s12, s17;
	s16 =	sshrl.u32 s16, $0x3  }
0x12: {  	[tilespmem:s15+$0x0 ss:$0x81] =	vst.msk $0xffff, v1;
	s13 =	sor.u32 $0x400, s13;
	s12 =	sadd.s32 s16, s12  }
0x13: {  	[hbm4b:s12+s13] =	stream.strided.scatter [tilespmem:s14], [sflag:$0x2], $0x2000, s8, s13, $0x20;
	[tilespmem:$0x8080] =	vst v63  }
.LBB1_5:
0x14: {  	s14 =	sadd.s32 $0x1, s9  }
0x15: {  	s12 =	sadd.s32 $0x1000, s10;
	s16 =	smov.u32 s10;
	p2 =	sgt.s32 s14, $0xC7  }
0x16: {  	s16 =	smov.u32 @p2 s12  }
0x17: {  	s14 =	simm.s32 @p2 $0x0;
	p2 =	sgt.s32 s16, $0xFFF  }
0x18: {  	s16 =	smov.u32 @p2 s2;
	p2 =	sne.s32 s11, s7  }
.Ltmp1:
0x19: {  	p1 =	slt.u32 s11, $0x2;
	(pc) =	sbr.rel @!p2 .LBB1_6-.Ltmp1, $4  }
0x1a: {  	s15 =	simm.s32 @!p1 $0x2  }
0x1b: {  	s13 =	smov.u32 s10;
	p0 =	por !p0, !p0;
	_ =	swait.ge @!p1 [sflag:s15], $0x2000  }
0x1c: {  	s12 =	smov.u32 s9;
	[sflag:s15] =	ssyncset.done @!p1 $0x0;
	s9 =	smov.u32 s14  }
0x1d: {  	s11 =	sadd.s32 $0x1, s11;
	[sflag:s15] =	ssyncadd.s32 @!p1 $0xFFFFE000;
	s10 =	smov.u32 s16  }
.LBB1_1:
0x1e: {  	p1 =	sge.u32 s11, s5  }
0x1f: {  	s14 =	sand.u32 @!p1 $0x1FFFFFF, s9  }
0x20: {  	s15 =	smulhi.u32 @!p1 $0x147AE15, s14;
	_ =	sdelay $0x1  }
0x21: {  	s15 =	smul.u32 @!p1 $0xC8, s15  }
0x22: {  	s16 =	sxor.u32 @!p1 $0xFFFFFFFF, s11;
	s17 =	smul.u32 @!p1 $0xC80, s10  }
0x23: {  	s31 =	sadd.s32 $0xFFFFFFFF, s11;
	s16 =	sshll.u32 @!p1 s16, $0xD;
	s14 =	ssub.s32 @!p1 s14, s15  }
0x24: {  	s15 =	sand.u32 @!p1 $0x2000, s16;
	s16 =	sadd.s32 @!p1 s6, s17;
	s14 =	sshll.u32 @!p1 s14, $0x4  }
0x25: {  	s17 =	simm.s32 @!p1 $0x6400;
	s14 =	sadd.s32 @!p1 s14, s16;
	s16 =	simm.s32 @!p1 $0x40  }
0x26: {  	[tilespmem:s15], [sflag:$0x1] =	stream.strided.gather @!p1 [hbm4b:s14+s16], $0x2000, s17, s16, $0x38;
	[tilespmem:$0x8080] =	vst v63  }
0x27: {  	p1 =	sge.u32 s31, s5  }
.Ltmp2:
0x28: {  	_ = 	snop;
	(pc) =	sbr.rel @p1 .LBB1_5-.Ltmp2, $1  }
0x29: {  	_ =	sdelay $0x3  }
0x2a: {  	s14 =	simm.s32 $0x1  }
0x2b: {  	_ =	swait.ge [sflag:s4], $0x2000;
	s14 =	simm.s32 @!p0 $0x0  }
0x2c: {  	[sflag:s4] =	ssyncset.done $0x0;
	s15 =	sshll.u32 s14, $0xD  }
0x2d: {  	[sflag:s4] =	ssyncadd.s32 $0xFFFFE000;
	s18 =	sor.u32 $0x20, s15  }
0x2e: {  	s14 =	smul.u32 $0x8100, s14;
	v3 =	vld [tilespmem:s18+$0x10]  }
0x2f: {  	s30 =	sand.u32 $0x1, s11;
	v2 =	vld [tilespmem:s18+$0xFFFFFFF0]  }
0x30: {  	s15 =	smul.u32 $0x8100, s30;
	s14 =	sshrl.u32 s14, $0x2;
	v0 =	vld [tilespmem:s18+$0x0]  }
0x31: {  	v1 =	vld [tilespmem:s18+$0xFFFFFFE0];
	s16 =	sor.u32 $0x4000, s14  }
0x32: {  	s31 =	sshrl.u32 s15, $0x2;
	s15 =	sadd.s32 $0x0, s16  }
0x33: {  	s17 =	simm.s32 $0x4;
	s18 =	sadd.s32 $0x40, s18;
	s14 =	sor.u32 $0x4000, s31;
	[tilespmem:s15+$0x1830 ss:$0x81] =	vst.msk $0xffff, v3  }
.LBB1_3:
0x34: {  	v3 =	vld [tilespmem:s18+$0x10];
	p1 =	sne.s32 s17, $0x1FC;
	[tilespmem:s15+$0x810 ss:$0x81] =	vst.msk $0xffff, v2;
	s19 =	smov.u32 s17;
	s17 =	sadd.s32 $0x4, s17  }
.Ltmp3:
0x35: {  	v2 =	vld [tilespmem:s18+$0xFFFFFFF0];
	[tilespmem:s15+$0x1020 ss:$0x81] =	vst.msk $0xffff, v0;
	(pc) =	sbr.rel @p1 .LBB1_3-.Ltmp3, $4  }
0x36: {  	v0 =	vld [tilespmem:s18+$0x0];
	[tilespmem:s15+$0x0 ss:$0x81] =	vst.msk $0xffff, v1  }
0x37: {  	s15 =	sshra.s32 s19, $0x2;
	v1 =	vld [tilespmem:s18+$0xFFFFFFE0]  }
0x38: {  	s15 =	sadd.s32 s15, s16  }
0x39: {  	s18 =	sadd.s32 $0x40, s18;
	[tilespmem:s15+$0x1830 ss:$0x81] =	vst.msk $0xffff, v3  }
.Ltmp4:
0x3a: {  	_ = 	snop;
	(pc) =	sbr.rel .LBB1_4-.Ltmp4, $1  }
0x3b: {  	_ =	sdelay $0x3  }
.LBB1_6:
0x3c: {  	_ =	sfence.sel $0x180000  }
0x3d: {  	s2 =	simm.s32 $0x1;
	[bflag:$0x0] =	sbarrier.arrive $0xFFFF  }
0x3e: {  	s31 =	simm.s32 $0x2;
	[sflag:s2] =	ssyncpa.u1 $0x1  }
0x3f: {  	[sflag:s31] =	ssyncpa.u1 $0x1  }
0x40: {  	p0 =	sne.s32 s0, $0x0;
	_ =	strace $0x9000004A  }
0x41: {  	s0 =	sadd.s32 @!p0 $0x100000, s1;
	[bflag:$0x2] =	sbarrier.arrive $0xFFFF  }
0x42: {  	[sflag:s0] =	ssyncadd.tile.s32 @!p0 $0x1;
	_ =	shalt  }
.Lfunc_end1:
_tile_overlayer_lowered:
.L_overlay_start_2:
0x43: {  	(tag) =	ssettag $0x2  }
0x44: {  	s0 =	rddreg [dreg:$0x0];
	s2 =	stileid.u32  }
0x45: {  	s1 =	rddreg [dreg:$0x1];
	p0 =	sne.s32 s2, $0x0  }
0x46: {  	s3 =	rddreg [dreg:$0x2];
	[bflag:$0x3] =	sbarrier.arrive $0xFFFF;
	s2 =	simm.s32 @!p0 $0x1C01  }
0x47: {  	[timem:s3], [sflag:s2] =	dma.local @!p0 [hbm:s0], s1  }
0x48: {  	s0 =	simm.s32 @!p0 $0x1  }
0x49: {  	_ =	swait.ge @!p0 [sflag:s0], s1  }
0x4a: {  	s1 =	ssub.s32 @!p0 $0x0, s1;
	[sflag:s0] =	ssyncset.done @!p0 $0x0  }
0x4b: {  	[sflag:s0] =	ssyncadd.s32 @!p0 s1  }
0x4c: {  	[bflag:$0x3] =	sbarrier.arrive $0xFFFF  }
0x4d: {  	_ =	shalt  }

</sc_bundles>
